<compile_context>
chip_gen: v7x
topology: tpu7x:2x2x1
jax: 0.10.2.dev20260603
libtpu: 0.0.44.dev20260713+nightly
codegen_flags: <defaults>
</compile_context>

<pallas_src>
import dataclasses
import functools

import numpy as np

import jax
import jax.numpy as jnp
from jax import lax
from jax.experimental import pallas as pl
from jax.experimental.pallas import tpu as pltpu
from jax.experimental.pallas import tpu_sc as plsc

NC = 2
NS = 16
NW = NC * NS
LANES = 16
CHUNK = 64
NBUF = 4


def _round_up(a, m):
    return (a + m - 1) // m * m


def _sc_compiler_params():
    cp = pltpu.CompilerParams()
    if "needs_layout_passes" in pltpu.CompilerParams.__dataclass_fields__:
        cp = dataclasses.replace(cp, needs_layout_passes=False)
    return cp


def _deg_kernel(e3d, n_pad, ch0, ch1):
    mesh = plsc.VectorSubcoreMesh(core_axis_name="c", subcore_axis_name="s")
    ch_max = max(ch0, ch1)

    @functools.partial(
        pl.kernel,
        out_type=jax.ShapeDtypeStruct((NW, n_pad), jnp.float32),
        mesh=mesh,
        scratch_types=[
            pltpu.VMEM((ch_max, CHUNK), jnp.int32),
            pltpu.VMEM((n_pad,), jnp.float32),
        ],
        compiler_params=_sc_compiler_params(),
    )
    def k(edges_hbm, out_hbm, didx, degbuf):
        cid = lax.axis_index("c")
        sid = lax.axis_index("s")
        w = cid * NS + sid
        zeros = jnp.zeros((LANES,), jnp.float32)
        ones = jnp.ones((LANES,), jnp.float32)

        @pl.loop(0, n_pad, step=LANES)
        def _(i):
            degbuf[pl.ds(i, LANES)] = zeros

        def hist(base_chunk, nch):
            pltpu.sync_copy(
                edges_hbm.at[1, pl.ds(base_chunk, nch)], didx.at[pl.ds(0, nch)]
            )

            @pl.loop(0, nch)
            def _(c):
                for j in range(CHUNK // LANES):
                    idx = didx[c, pl.ds(j * LANES, LANES)]
                    plsc.addupdate_scatter(degbuf, [idx], ones)

        @pl.when(cid == 0)
        def _():
            hist(sid * ch0, ch0)

        @pl.when(cid == 1)
        def _():
            hist(NS * ch0 + sid * ch1, ch1)

        pltpu.sync_copy(degbuf, out_hbm.at[w])

    return k(e3d)


def _matmul_kernel(x, w_mat, blk):
    n, d = x.shape

    def body(x_ref, w_ref, y_ref):
        y_ref[...] = lax.dot_general(
            x_ref[...], w_ref[...], (((1,), (1,)), ((), ())),
            preferred_element_type=jnp.float32,
            precision=lax.Precision.HIGHEST,
        )

    return pl.pallas_call(
        body,
        grid=(n // blk,),
        in_specs=[
            pl.BlockSpec((blk, d), lambda i: (i, 0)),
            pl.BlockSpec((d, d), lambda i: (0, 0)),
        ],
        out_specs=pl.BlockSpec((blk, d), lambda i: (i, 0)),
        out_shape=jax.ShapeDtypeStruct((n, d), jnp.float32),
    )(x, w_mat)


def _dis_kernel(deg_parts):
    n_pad = deg_parts.shape[1]

    def body(degp_ref, dis_ref):
        ones = jnp.ones((NW, 1), jnp.float32)
        deg = lax.dot_general(
            degp_ref[...], ones, (((0,), (0,)), ((), ())),
            preferred_element_type=jnp.float32,
            precision=lax.Precision.HIGHEST,
        )
        dis_ref[...] = lax.rsqrt(deg + 1.0)

    return pl.pallas_call(
        body,
        out_shape=jax.ShapeDtypeStruct((n_pad, 1), jnp.float32),
    )(deg_parts)


def _prescale_kernel(dis, y, blk):
    n, d = y.shape

    def body(dis_ref, y_ref, yt_ref):
        yt_ref[...] = y_ref[...] * dis_ref[...]

    return pl.pallas_call(
        body,
        grid=(n // blk,),
        in_specs=[
            pl.BlockSpec((blk, 1), lambda i: (i, 0)),
            pl.BlockSpec((blk, d), lambda i: (i, 0)),
        ],
        out_specs=pl.BlockSpec((blk, d), lambda i: (i, 0)),
        out_shape=jax.ShapeDtypeStruct((n, d), jnp.float32),
    )(dis, y)


def _propagate_kernel(xt, e3d, n, n_pad, ch0, ch1, group):
    d = xt.shape[1]
    zero_copies = n_pad // NS // CHUNK
    out_rows = (n // NS) // 8 * 8
    out_rows_last = n - (NS - 1) * out_rows
    mesh = plsc.VectorSubcoreMesh(core_axis_name="c", subcore_axis_name="s")

    @functools.partial(
        pl.kernel,
        out_type=jax.ShapeDtypeStruct((NC, n, d), jnp.float32),
        mesh=mesh,
        scratch_types=[
            pltpu.VMEM((group, CHUNK), jnp.int32),
            pltpu.VMEM((group, CHUNK), jnp.int32),
        ] + [pltpu.VMEM((CHUNK, d), jnp.float32)] * NBUF
          + [pltpu.VMEM_SHARED((n_pad, d), jnp.float32)]
          + [pltpu.SemaphoreType.DMA] * NBUF,
        compiler_params=_sc_compiler_params(),
    )
    def k(xt_hbm, edges_hbm, out_hbm, sidx, didx, *rest):
        rows_bufs = rest[:NBUF]
        h_sh = rest[NBUF]
        sems = rest[NBUF + 1:]
        rows_a = rows_bufs[0]
        cid = lax.axis_index("c")
        sid = lax.axis_index("s")
        zeros = jnp.zeros((LANES,), jnp.float32)
        bufs = tuple(zip(rows_bufs, sems))

        @pl.loop(0, CHUNK)
        def _(r):
            for j in range(d // LANES):
                rows_a[r, pl.ds(j * LANES, LANES)] = zeros

        @pl.loop(0, zero_copies)
        def _(z):
            pltpu.sync_copy(
                rows_a, h_sh.at[pl.ds((sid * zero_copies + z) * CHUNK, CHUNK)]
            )

        plsc.subcore_barrier()

        def edge_pipe(base_chunk, nch):
            @pl.loop(0, nch, step=group)
            def _(g):
                pltpu.sync_copy(edges_hbm.at[0, pl.ds(base_chunk + g, group)],
                                sidx)
                pltpu.sync_copy(edges_hbm.at[1, pl.ds(base_chunk + g, group)],
                                didx)
                for i, (rows, sem) in enumerate(bufs):
                    pltpu.async_copy(xt_hbm.at[sidx.at[i]], rows, sem)

                @pl.loop(0, group, step=NBUF)
                def _(c):
                    for i, (rows, sem) in enumerate(bufs):
                        pltpu.make_async_copy(
                            xt_hbm.at[pl.ds(0, CHUNK)], rows, sem
                        ).wait()
                        pltpu.sync_copy(rows, h_sh.at[didx.at[c + i]], add=True)

                        @pl.when(c + i + NBUF < group)
                        def _():
                            pltpu.async_copy(
                                xt_hbm.at[sidx.at[c + i + NBUF]], rows, sem
                            )

        @pl.when(cid == 0)
        def _():
            edge_pipe(sid * ch0, ch0)

        @pl.when(cid == 1)
        def _():
            edge_pipe(NS * ch0 + sid * ch1, ch1)

        plsc.subcore_barrier()

        @pl.when(sid < NS - 1)
        def _():
            pltpu.sync_copy(
                h_sh.at[pl.ds(sid * out_rows, out_rows)],
                out_hbm.at[cid, pl.ds(sid * out_rows, out_rows)],
            )

        @pl.when(sid == NS - 1)
        def _():
            pltpu.sync_copy(
                h_sh.at[pl.ds((NS - 1) * out_rows, out_rows_last)],
                out_hbm.at[cid, pl.ds((NS - 1) * out_rows, out_rows_last)],
            )

    return k(xt, e3d)


def _final_kernel(dis, yt, s, b_row, blk):
    n, d = yt.shape

    def body(dis_ref, yt_ref, s_ref, b_ref, out_ref):
        h = (s_ref[0] + s_ref[1] + yt_ref[...]) * dis_ref[...]
        z = h + b_ref[...]
        out_ref[...] = jnp.where(z >= 0.0, z, 0.1 * z)

    return pl.pallas_call(
        body,
        grid=(n // blk,),
        in_specs=[
            pl.BlockSpec((blk, 1), lambda i: (i, 0)),
            pl.BlockSpec((blk, d), lambda i: (i, 0)),
            pl.BlockSpec((NC, blk, d), lambda i: (0, i, 0)),
            pl.BlockSpec((1, d), lambda i: (0, 0)),
        ],
        out_specs=pl.BlockSpec((blk, d), lambda i: (i, 0)),
        out_shape=jax.ShapeDtypeStruct((n, d), jnp.float32),
    )(dis, yt, s, b_row)


def kernel(x, edge_index, W, b):
    n, d = x.shape
    e = edge_index.shape[1]
    e_pad = _round_up(e, NW * CHUNK * 8)
    ch_pair = e_pad // CHUNK // NS
    group = ch_pair // 8
    ch0 = 4 * group
    ch1 = ch_pair - ch0
    n_pad = _round_up(n + 1, NS * CHUNK)

    pad = e_pad - e
    assert e % CHUNK == 0 and n_pad - n >= 128
    pad_i = np.arange(pad, dtype=np.int32)
    pad3d = np.stack([
        np.asarray(pad_i % n, np.int32).reshape(pad // CHUNK, CHUNK),
        np.asarray(n + (pad_i & 127), np.int32).reshape(pad // CHUNK, CHUNK),
    ])
    e3d = jnp.concatenate(
        [edge_index.reshape(2, e // CHUNK, CHUNK), jnp.asarray(pad3d)], axis=1
    )

    blk = 2000
    y = _matmul_kernel(x, W, blk)
    deg_parts = _deg_kernel(e3d, n_pad, ch0, ch1)
    dis = _dis_kernel(deg_parts)
    yt = _prescale_kernel(dis, y, blk)
    s = _propagate_kernel(yt, e3d, n, n_pad, ch0, ch1, group)
    return _final_kernel(dis, yt, s, b.reshape(1, d), blk)

# --- scband reference (transcript-rebuilt; emitter-appended) ---
"""Pipeline reference for scband-encoder-15135464751432 (READ-ONLY COPY).

The authoritative reference and input builder live on the scoring server;
editing this copy changes nothing except your own understanding.
"""

import jax, jax.numpy as jnp
import numpy as np

N = 10000
E = 320000
D_IN = 128
D_OUT = 128
K = 1

def setup_inputs(seed: int = 0) -> dict:
    key = jax.random.key(seed)
    k1, k2, k3, k4 = jax.random.split(key, 4)
    x = jax.random.normal(k1, (N, D_IN), dtype=jnp.float32)
    edge_index = jax.random.randint(k2, (2, E), 0, N, dtype=jnp.int32)
    # SGConv linear layer parameters (glorot-like init)
    scale = 1.0 / np.sqrt(D_IN)
    W = jax.random.normal(k3, (D_OUT, D_IN), dtype=jnp.float32) * scale
    b = jnp.zeros((D_OUT,), dtype=jnp.float32)
    return {"x": x, "edge_index": edge_index, "W": W, "b": b}

def reference(x, edge_index, W, b):
    # SGConv with K=1: y = LeakyReLU( (D^-1/2 (A+I) D^-1/2)^K x W^T + b )
    src = edge_index[0]
    dst = edge_index[1]
    loop = jnp.arange(N, dtype=edge_index.dtype)
    src = jnp.concatenate([src, loop])
    dst = jnp.concatenate([dst, loop])
    # symmetric normalization
    ones = jnp.ones(src.shape[0], dtype=x.dtype)
    deg = jnp.zeros((N,), dtype=x.dtype).at[dst].add(ones)
    deg_inv_sqrt = jnp.where(deg > 0, 1.0 / jnp.sqrt(deg), 0.0)
    norm = deg_inv_sqrt[src] * deg_inv_sqrt[dst]
    h = x
    for _ in range(K):
        msgs = norm[:, None] * jnp.take(h, src, axis=0)
        h = jax.ops.segment_sum(msgs, dst, num_segments=N)
    out = h @ W.T + b
    return jax.nn.leaky_relu(out, negative_slope=0.1)

if __name__ == "__main__":
    import jax
    _d = setup_inputs()
    print(jax.jit(kernel)(*tuple(_d.values())))

</pallas_src>

<mosaic_0001>
#map = affine_map<(d0, d1) -> (0, 0)>
#map1 = affine_map<(d0, d1) -> (0, 0, 0)>
module attributes {stable_mosaic.version = 14 : i64} {
  func.func @k(%arg0: i32, %arg1: i32, %arg2: memref<10000x128xf32, #tpu.memory_space<hbm>>, %arg3: memref<2x5120x64xi32, #tpu.memory_space<hbm>>, %arg4: memref<2x10000x128xf32, #tpu.memory_space<hbm>>, %arg5: memref<40x64xi32, #tpu.memory_space<vmem>>, %arg6: memref<40x64xi32, #tpu.memory_space<vmem>>, %arg7: memref<64x128xf32, #tpu.memory_space<vmem>>, %arg8: memref<64x128xf32, #tpu.memory_space<vmem>>, %arg9: memref<64x128xf32, #tpu.memory_space<vmem>>, %arg10: memref<64x128xf32, #tpu.memory_space<vmem>>, %arg11: memref<10240x128xf32, #tpu.memory_space<vmem_shared>>, %arg12: memref<!tpu.dma_semaphore, #tpu.memory_space<semaphore_mem>>, %arg13: memref<!tpu.dma_semaphore, #tpu.memory_space<semaphore_mem>>, %arg14: memref<!tpu.dma_semaphore, #tpu.memory_space<semaphore_mem>>, %arg15: memref<!tpu.dma_semaphore, #tpu.memory_space<semaphore_mem>>) attributes {dimension_semantics = [#tpu.dimension_semantics<core_parallel>, #tpu.dimension_semantics<subcore_parallel>], iteration_bounds = array<i64: 2, 16>, scalar_prefetch = 0 : i64, scratch_operands = 11 : i64, tpu.core_type = #tpu.core_type<sc_vector_subcore>, window_params = [{transform_indices = #map}, {transform_indices = #map1}, {transform_indices = #map1}]} {
    %broadcast_in_dim3A = arith.constant 0.000000e+00 : f32
    %broadcast_in_dim3A_0 = vector.broadcast %broadcast_in_dim3A : f32 to vector<16xf32>
    %scan3A = arith.constant 0 : i32
    %scan3A_1 = arith.constant 64 : i32
    %scan3A_2 = arith.addi %scan3A, %scan3A_1 : i32
    %scan3A_3 = arith.constant 1 : i32
    scf.for %scan3A_27 = %scan3A to %scan3A_2 step %scan3A_3  : i32 {
      %mul3A = arith.constant 1 : i32
      %mul3A_28 = arith.muli %scan3A_27, %mul3A : i32
      %add3A = arith.constant 0 : i32
      %add3A_29 = arith.addi %add3A, %mul3A_28 : i32
      %swap3A = arith.index_cast %add3A_29 : i32 to index
      %swap3A_30 = arith.constant 0 : index
      %swap3A_31 = tpu.vector_load %arg7[%swap3A, %swap3A_30] {strides = array<i32>} : memref<64x128xf32, #tpu.memory_space<vmem>>, vector<16xf32>,
      tpu.vector_store %arg7[%swap3A, %swap3A_30], %broadcast_in_dim3A_0 {strides = array<i32>} : memref<64x128xf32, #tpu.memory_space<vmem>>, vector<16xf32>,
      %swap3A_32 = arith.index_cast %add3A_29 : i32 to index
      %swap3A_33 = arith.constant 16 : index
      %swap3A_34 = tpu.vector_load %arg7[%swap3A_32, %swap3A_33] {strides = array<i32>} : memref<64x128xf32, #tpu.memory_space<vmem>>, vector<16xf32>,
      tpu.vector_store %arg7[%swap3A_32, %swap3A_33], %broadcast_in_dim3A_0 {strides = array<i32>} : memref<64x128xf32, #tpu.memory_space<vmem>>, vector<16xf32>,
      %swap3A_35 = arith.index_cast %add3A_29 : i32 to index
      %swap3A_36 = arith.constant 32 : index
      %swap3A_37 = tpu.vector_load %arg7[%swap3A_35, %swap3A_36] {strides = array<i32>} : memref<64x128xf32, #tpu.memory_space<vmem>>, vector<16xf32>,
      tpu.vector_store %arg7[%swap3A_35, %swap3A_36], %broadcast_in_dim3A_0 {strides = array<i32>} : memref<64x128xf32, #tpu.memory_space<vmem>>, vector<16xf32>,
      %swap3A_38 = arith.index_cast %add3A_29 : i32 to index
      %swap3A_39 = arith.constant 48 : index
      %swap3A_40 = tpu.vector_load %arg7[%swap3A_38, %swap3A_39] {strides = array<i32>} : memref<64x128xf32, #tpu.memory_space<vmem>>, vector<16xf32>,
      tpu.vector_store %arg7[%swap3A_38, %swap3A_39], %broadcast_in_dim3A_0 {strides = array<i32>} : memref<64x128xf32, #tpu.memory_space<vmem>>, vector<16xf32>,
      %swap3A_41 = arith.index_cast %add3A_29 : i32 to index
      %swap3A_42 = arith.constant 64 : index
      %swap3A_43 = tpu.vector_load %arg7[%swap3A_41, %swap3A_42] {strides = array<i32>} : memref<64x128xf32, #tpu.memory_space<vmem>>, vector<16xf32>,
      tpu.vector_store %arg7[%swap3A_41, %swap3A_42], %broadcast_in_dim3A_0 {strides = array<i32>} : memref<64x128xf32, #tpu.memory_space<vmem>>, vector<16xf32>,
      %swap3A_44 = arith.index_cast %add3A_29 : i32 to index
      %swap3A_45 = arith.constant 80 : index
      %swap3A_46 = tpu.vector_load %arg7[%swap3A_44, %swap3A_45] {strides = array<i32>} : memref<64x128xf32, #tpu.memory_space<vmem>>, vector<16xf32>,
      tpu.vector_store %arg7[%swap3A_44, %swap3A_45], %broadcast_in_dim3A_0 {strides = array<i32>} : memref<64x128xf32, #tpu.memory_space<vmem>>, vector<16xf32>,
      %swap3A_47 = arith.index_cast %add3A_29 : i32 to index
      %swap3A_48 = arith.constant 96 : index
      %swap3A_49 = tpu.vector_load %arg7[%swap3A_47, %swap3A_48] {strides = array<i32>} : memref<64x128xf32, #tpu.memory_space<vmem>>, vector<16xf32>,
      tpu.vector_store %arg7[%swap3A_47, %swap3A_48], %broadcast_in_dim3A_0 {strides = array<i32>} : memref<64x128xf32, #tpu.memory_space<vmem>>, vector<16xf32>,
      %swap3A_50 = arith.index_cast %add3A_29 : i32 to index
      %swap3A_51 = arith.constant 112 : index
      %swap3A_52 = tpu.vector_load %arg7[%swap3A_50, %swap3A_51] {strides = array<i32>} : memref<64x128xf32, #tpu.memory_space<vmem>>, vector<16xf32>,
      tpu.vector_store %arg7[%swap3A_50, %swap3A_51], %broadcast_in_dim3A_0 {strides = array<i32>} : memref<64x128xf32, #tpu.memory_space<vmem>>, vector<16xf32>,
    }
    %scan3A_4 = arith.constant 64 : i32
    %scan3A_5 = arith.constant 0 : i32
    %scan3A_6 = arith.constant 10 : i32
    %scan3A_7 = arith.addi %scan3A_5, %scan3A_6 : i32
    %scan3A_8 = arith.constant 1 : i32
    scf.for %scan3A_27 = %scan3A_5 to %scan3A_7 step %scan3A_8  : i32 {
      %mul3A = arith.constant 1 : i32
      %mul3A_28 = arith.muli %scan3A_27, %mul3A : i32
      %add3A = arith.constant 0 : i32
      %add3A_29 = arith.addi %add3A, %mul3A_28 : i32
      %mul3A_30 = arith.constant 10 : i32
      %mul3A_31 = arith.muli %arg1, %mul3A_30 : i32
      %add3A_32 = arith.addi %mul3A_31, %add3A_29 : i32
      %mul3A_33 = arith.constant 64 : i32
      %mul3A_34 = arith.muli %add3A_32, %mul3A_33 : i32
      "tpu.region"() ({
        %run_scoped3A = tpu.sem_alloc : memref<!tpu.dma_semaphore, #tpu.memory_space<semaphore_mem>>
        %dma_start3A = arith.constant 0 : i32
        %dma_start3A_35 = tpu.memref_slice %arg11[%mul3A_34, %dma_start3A] : memref<10240x128xf32, #tpu.memory_space<vmem_shared>> -> memref<64x128xf32, #tpu.memory_space<vmem_shared>>
        %dma_start3A_36 = arith.constant 0 : i32
        %dma_start3A_37 = tpu.memref_slice %arg11[%mul3A_34, %dma_start3A_36] : memref<10240x128xf32, #tpu.memory_space<vmem_shared>> -> memref<64x128xf32, #tpu.memory_space<vmem_shared>>
        tpu.enqueue_dma source(%arg7 : memref<64x128xf32, #tpu.memory_space<vmem>>) target(%dma_start3A_37 : memref<64x128xf32, #tpu.memory_space<vmem_shared>>) target_semaphore(%run_scoped3A : memref<!tpu.dma_semaphore, #tpu.memory_space<semaphore_mem>>)
        %dma_wait3A = arith.constant 0 : i32
        %dma_wait3A_38 = tpu.memref_slice %arg11[%mul3A_34, %dma_wait3A] : memref<10240x128xf32, #tpu.memory_space<vmem_shared>> -> memref<64x128xf32, #tpu.memory_space<vmem_shared>>
        %dma_wait3A_39 = arith.constant 0 : i32
        %dma_wait3A_40 = tpu.memref_slice %arg11[%mul3A_34, %dma_wait3A_39] : memref<10240x128xf32, #tpu.memory_space<vmem_shared>> -> memref<64x128xf32, #tpu.memory_space<vmem_shared>>
        tpu.wait_dma2 semaphore(%run_scoped3A : memref<!tpu.dma_semaphore, #tpu.memory_space<semaphore_mem>>) src(%arg7 : memref<64x128xf32, #tpu.memory_space<vmem>>) dst(%dma_wait3A_40 : memref<64x128xf32, #tpu.memory_space<vmem_shared>>)
        tpu.yield
      }) : () -> ()
    }
    %scan3A_9 = arith.constant 10 : i32
    %barrier3A = arith.constant 0 : index
    tpu.barrier barrier_id(%barrier3A)
    %eq3A = arith.constant 0 : i32
    %eq3A_10 = arith.cmpi eq, %arg0, %eq3A : i32
    %convert_element_type3A = arith.extui %eq3A_10 : i1 to i32
    %cond3A = arith.constant 0 : i32
    %cond3A_11 = arith.cmpi ne, %convert_element_type3A, %cond3A : i32
    scf.if %cond3A_11 {
      %mul3A = arith.constant 160 : i32
      %mul3A_27 = arith.muli %arg1, %mul3A : i32
      %scan3A_28 = arith.constant 0 : i32
      %scan3A_29 = arith.constant 4 : i32
      %scan3A_30 = arith.addi %scan3A_28, %scan3A_29 : i32
      %scan3A_31 = arith.constant 1 : i32
      scf.for %scan3A_33 = %scan3A_28 to %scan3A_30 step %scan3A_31  : i32 {
        %mul3A_34 = arith.constant 40 : i32
        %mul3A_35 = arith.muli %scan3A_33, %mul3A_34 : i32
        %add3A = arith.constant 0 : i32
        %add3A_36 = arith.addi %add3A, %mul3A_35 : i32
        %add3A_37 = arith.addi %mul3A_27, %add3A_36 : i32
        %run_scoped3A = arith.constant 0 : i32
        "tpu.region"() ({
          %run_scoped3A_72 = tpu.sem_alloc : memref<!tpu.dma_semaphore, #tpu.memory_space<semaphore_mem>>
          %dma_start3A_73 = arith.constant 0 : i32
          %dma_start3A_74 = tpu.memref_slice %arg3[%run_scoped3A, %add3A_37, %dma_start3A_73] : memref<2x5120x64xi32, #tpu.memory_space<hbm>> -> memref<1x40x64xi32, #tpu.memory_space<hbm>>
          %dma_start3A_75 = tpu.memref_squeeze %dma_start3A_74 : memref<1x40x64xi32, #tpu.memory_space<hbm>> -> memref<40x64xi32, #tpu.memory_space<hbm>>
          %dma_start3A_76 = arith.constant 0 : i32
          %dma_start3A_77 = tpu.memref_slice %arg3[%run_scoped3A, %add3A_37, %dma_start3A_76] : memref<2x5120x64xi32, #tpu.memory_space<hbm>> -> memref<1x40x64xi32, #tpu.memory_space<hbm>>
          %dma_start3A_78 = tpu.memref_squeeze %dma_start3A_77 : memref<1x40x64xi32, #tpu.memory_space<hbm>> -> memref<40x64xi32, #tpu.memory_space<hbm>>
          tpu.enqueue_dma source(%dma_start3A_78 : memref<40x64xi32, #tpu.memory_space<hbm>>) target(%arg5 : memref<40x64xi32, #tpu.memory_space<vmem>>) target_semaphore(%run_scoped3A_72 : memref<!tpu.dma_semaphore, #tpu.memory_space<semaphore_mem>>)
          %dma_wait3A = arith.constant 0 : i32
          %dma_wait3A_79 = tpu.memref_slice %arg3[%run_scoped3A, %add3A_37, %dma_wait3A] : memref<2x5120x64xi32, #tpu.memory_space<hbm>> -> memref<1x40x64xi32, #tpu.memory_space<hbm>>
          %dma_wait3A_80 = tpu.memref_squeeze %dma_wait3A_79 : memref<1x40x64xi32, #tpu.memory_space<hbm>> -> memref<40x64xi32, #tpu.memory_space<hbm>>
          %dma_wait3A_81 = arith.constant 0 : i32
          %dma_wait3A_82 = tpu.memref_slice %arg3[%run_scoped3A, %add3A_37, %dma_wait3A_81] : memref<2x5120x64xi32, #tpu.memory_space<hbm>> -> memref<1x40x64xi32, #tpu.memory_space<hbm>>
          %dma_wait3A_83 = tpu.memref_squeeze %dma_wait3A_82 : memref<1x40x64xi32, #tpu.memory_space<hbm>> -> memref<40x64xi32, #tpu.memory_space<hbm>>
          tpu.wait_dma2 semaphore(%run_scoped3A_72 : memref<!tpu.dma_semaphore, #tpu.memory_space<semaphore_mem>>) src(%dma_wait3A_83 : memref<40x64xi32, #tpu.memory_space<hbm>>) dst(%arg5 : memref<40x64xi32, #tpu.memory_space<vmem>>)
          tpu.yield
        }) : () -> ()
        %add3A_38 = arith.addi %mul3A_27, %add3A_36 : i32
        %run_scoped3A_39 = arith.constant 1 : i32
        "tpu.region"() ({
          %run_scoped3A_72 = tpu.sem_alloc : memref<!tpu.dma_semaphore, #tpu.memory_space<semaphore_mem>>
          %dma_start3A_73 = arith.constant 0 : i32
          %dma_start3A_74 = tpu.memref_slice %arg3[%run_scoped3A_39, %add3A_38, %dma_start3A_73] : memref<2x5120x64xi32, #tpu.memory_space<hbm>> -> memref<1x40x64xi32, #tpu.memory_space<hbm>>
          %dma_start3A_75 = tpu.memref_squeeze %dma_start3A_74 : memref<1x40x64xi32, #tpu.memory_space<hbm>> -> memref<40x64xi32, #tpu.memory_space<hbm>>
          %dma_start3A_76 = arith.constant 0 : i32
          %dma_start3A_77 = tpu.memref_slice %arg3[%run_scoped3A_39, %add3A_38, %dma_start3A_76] : memref<2x5120x64xi32, #tpu.memory_space<hbm>> -> memref<1x40x64xi32, #tpu.memory_space<hbm>>
          %dma_start3A_78 = tpu.memref_squeeze %dma_start3A_77 : memref<1x40x64xi32, #tpu.memory_space<hbm>> -> memref<40x64xi32, #tpu.memory_space<hbm>>
          tpu.enqueue_dma source(%dma_start3A_78 : memref<40x64xi32, #tpu.memory_space<hbm>>) target(%arg6 : memref<40x64xi32, #tpu.memory_space<vmem>>) target_semaphore(%run_scoped3A_72 : memref<!tpu.dma_semaphore, #tpu.memory_space<semaphore_mem>>)
          %dma_wait3A = arith.constant 0 : i32
          %dma_wait3A_79 = tpu.memref_slice %arg3[%run_scoped3A_39, %add3A_38, %dma_wait3A] : memref<2x5120x64xi32, #tpu.memory_space<hbm>> -> memref<1x40x64xi32, #tpu.memory_space<hbm>>
          %dma_wait3A_80 = tpu.memref_squeeze %dma_wait3A_79 : memref<1x40x64xi32, #tpu.memory_space<hbm>> -> memref<40x64xi32, #tpu.memory_space<hbm>>
          %dma_wait3A_81 = arith.constant 0 : i32
          %dma_wait3A_82 = tpu.memref_slice %arg3[%run_scoped3A_39, %add3A_38, %dma_wait3A_81] : memref<2x5120x64xi32, #tpu.memory_space<hbm>> -> memref<1x40x64xi32, #tpu.memory_space<hbm>>
          %dma_wait3A_83 = tpu.memref_squeeze %dma_wait3A_82 : memref<1x40x64xi32, #tpu.memory_space<hbm>> -> memref<40x64xi32, #tpu.memory_space<hbm>>
          tpu.wait_dma2 semaphore(%run_scoped3A_72 : memref<!tpu.dma_semaphore, #tpu.memory_space<semaphore_mem>>) src(%dma_wait3A_83 : memref<40x64xi32, #tpu.memory_space<hbm>>) dst(%arg6 : memref<40x64xi32, #tpu.memory_space<vmem>>)
          tpu.yield
        }) : () -> ()
        %dma_start3A = arith.constant 0 : i32
        %dma_start3A_40 = arith.constant 0 : i32
        %dma_start3A_41 = tpu.memref_slice %arg5[%dma_start3A, %dma_start3A_40] : memref<40x64xi32, #tpu.memory_space<vmem>> -> memref<1x64xi32, #tpu.memory_space<vmem>>
        %dma_start3A_42 = tpu.memref_squeeze %dma_start3A_41 : memref<1x64xi32, #tpu.memory_space<vmem>> -> memref<64xi32, #tpu.memory_space<vmem>>
        %dma_start3A_43 = arith.constant 0 : i32
        %dma_start3A_44 = arith.constant 0 : i32
        %dma_start3A_45 = tpu.memref_slice %arg2[%dma_start3A_43, %dma_start3A_44] : memref<10000x128xf32, #tpu.memory_space<hbm>> -> memref<10000x128xf32, #tpu.memory_space<hbm>>
        tpu.enqueue_indirect_dma source(%dma_start3A_45 : memref<10000x128xf32, #tpu.memory_space<hbm>>) target(%arg7 : memref<64x128xf32, #tpu.memory_space<vmem>>) offsets(%dma_start3A_42 : memref<64xi32, #tpu.memory_space<vmem>>) semaphore(%arg12 : memref<!tpu.dma_semaphore, #tpu.memory_space<semaphore_mem>>)
        %dma_start3A_46 = arith.constant 1 : i32
        %dma_start3A_47 = arith.constant 0 : i32
        %dma_start3A_48 = tpu.memref_slice %arg5[%dma_start3A_46, %dma_start3A_47] : memref<40x64xi32, #tpu.memory_space<vmem>> -> memref<1x64xi32, #tpu.memory_space<vmem>>
        %dma_start3A_49 = tpu.memref_squeeze %dma_start3A_48 : memref<1x64xi32, #tpu.memory_space<vmem>> -> memref<64xi32, #tpu.memory_space<vmem>>
        %dma_start3A_50 = arith.constant 0 : i32
        %dma_start3A_51 = arith.constant 0 : i32
        %dma_start3A_52 = tpu.memref_slice %arg2[%dma_start3A_50, %dma_start3A_51] : memref<10000x128xf32, #tpu.memory_space<hbm>> -> memref<10000x128xf32, #tpu.memory_space<hbm>>
        tpu.enqueue_indirect_dma source(%dma_start3A_52 : memref<10000x128xf32, #tpu.memory_space<hbm>>) target(%arg8 : memref<64x128xf32, #tpu.memory_space<vmem>>) offsets(%dma_start3A_49 : memref<64xi32, #tpu.memory_space<vmem>>) semaphore(%arg13 : memref<!tpu.dma_semaphore, #tpu.memory_space<semaphore_mem>>)
        %dma_start3A_53 = arith.constant 2 : i32
        %dma_start3A_54 = arith.constant 0 : i32
        %dma_start3A_55 = tpu.memref_slice %arg5[%dma_start3A_53, %dma_start3A_54] : memref<40x64xi32, #tpu.memory_space<vmem>> -> memref<1x64xi32, #tpu.memory_space<vmem>>
        %dma_start3A_56 = tpu.memref_squeeze %dma_start3A_55 : memref<1x64xi32, #tpu.memory_space<vmem>> -> memref<64xi32, #tpu.memory_space<vmem>>
        %dma_start3A_57 = arith.constant 0 : i32
        %dma_start3A_58 = arith.constant 0 : i32
        %dma_start3A_59 = tpu.memref_slice %arg2[%dma_start3A_57, %dma_start3A_58] : memref<10000x128xf32, #tpu.memory_space<hbm>> -> memref<10000x128xf32, #tpu.memory_space<hbm>>
        tpu.enqueue_indirect_dma source(%dma_start3A_59 : memref<10000x128xf32, #tpu.memory_space<hbm>>) target(%arg9 : memref<64x128xf32, #tpu.memory_space<vmem>>) offsets(%dma_start3A_56 : memref<64xi32, #tpu.memory_space<vmem>>) semaphore(%arg14 : memref<!tpu.dma_semaphore, #tpu.memory_space<semaphore_mem>>)
        %dma_start3A_60 = arith.constant 3 : i32
        %dma_start3A_61 = arith.constant 0 : i32
        %dma_start3A_62 = tpu.memref_slice %arg5[%dma_start3A_60, %dma_start3A_61] : memref<40x64xi32, #tpu.memory_space<vmem>> -> memref<1x64xi32, #tpu.memory_space<vmem>>
        %dma_start3A_63 = tpu.memref_squeeze %dma_start3A_62 : memref<1x64xi32, #tpu.memory_space<vmem>> -> memref<64xi32, #tpu.memory_space<vmem>>
        %dma_start3A_64 = arith.constant 0 : i32
        %dma_start3A_65 = arith.constant 0 : i32
        %dma_start3A_66 = tpu.memref_slice %arg2[%dma_start3A_64, %dma_start3A_65] : memref<10000x128xf32, #tpu.memory_space<hbm>> -> memref<10000x128xf32, #tpu.memory_space<hbm>>
        tpu.enqueue_indirect_dma source(%dma_start3A_66 : memref<10000x128xf32, #tpu.memory_space<hbm>>) target(%arg10 : memref<64x128xf32, #tpu.memory_space<vmem>>) offsets(%dma_start3A_63 : memref<64xi32, #tpu.memory_space<vmem>>) semaphore(%arg15 : memref<!tpu.dma_semaphore, #tpu.memory_space<semaphore_mem>>)
        %scan3A_67 = arith.constant 0 : i32
        %scan3A_68 = arith.constant 10 : i32
        %scan3A_69 = arith.addi %scan3A_67, %scan3A_68 : i32
        %scan3A_70 = arith.constant 1 : i32
        scf.for %scan3A_72 = %scan3A_67 to %scan3A_69 step %scan3A_70  : i32 {
          %mul3A_73 = arith.constant 4 : i32
          %mul3A_74 = arith.muli %scan3A_72, %mul3A_73 : i32
          %add3A_75 = arith.constant 0 : i32
          %add3A_76 = arith.addi %add3A_75, %mul3A_74 : i32
          %dma_wait3A = arith.constant 0 : i32
          %dma_wait3A_77 = arith.constant 0 : i32
          %dma_wait3A_78 = tpu.memref_slice %arg2[%dma_wait3A, %dma_wait3A_77] : memref<10000x128xf32, #tpu.memory_space<hbm>> -> memref<64x128xf32, #tpu.memory_space<hbm>>
          %dma_wait3A_79 = arith.constant 0 : i32
          %dma_wait3A_80 = arith.constant 0 : i32
          %dma_wait3A_81 = tpu.memref_slice %arg2[%dma_wait3A_79, %dma_wait3A_80] : memref<10000x128xf32, #tpu.memory_space<hbm>> -> memref<64x128xf32, #tpu.memory_space<hbm>>
          tpu.wait_dma2 semaphore(%arg12 : memref<!tpu.dma_semaphore, #tpu.memory_space<semaphore_mem>>) src(%dma_wait3A_81 : memref<64x128xf32, #tpu.memory_space<hbm>>) dst(%arg7 : memref<64x128xf32, #tpu.memory_space<vmem>>)
          %add3A_82 = arith.constant 0 : i32
          %add3A_83 = arith.addi %add3A_76, %add3A_82 : i32
          "tpu.region"() ({
            %run_scoped3A_144 = tpu.sem_alloc : memref<!tpu.dma_semaphore, #tpu.memory_space<semaphore_mem>>
            %dma_start3A_145 = arith.constant 0 : i32
            %dma_start3A_146 = tpu.memref_slice %arg6[%add3A_83, %dma_start3A_145] : memref<40x64xi32, #tpu.memory_space<vmem>> -> memref<1x64xi32, #tpu.memory_space<vmem>>
            %dma_start3A_147 = tpu.memref_squeeze %dma_start3A_146 : memref<1x64xi32, #tpu.memory_space<vmem>> -> memref<64xi32, #tpu.memory_space<vmem>>
            %dma_start3A_148 = arith.constant 0 : i32
            %dma_start3A_149 = arith.constant 0 : i32
            %dma_start3A_150 = tpu.memref_slice %arg11[%dma_start3A_148, %dma_start3A_149] : memref<10240x128xf32, #tpu.memory_space<vmem_shared>> -> memref<10240x128xf32, #tpu.memory_space<vmem_shared>>
            tpu.enqueue_indirect_dma source(%arg7 : memref<64x128xf32, #tpu.memory_space<vmem>>) target(%dma_start3A_150 : memref<10240x128xf32, #tpu.memory_space<vmem_shared>>) offsets(%dma_start3A_147 : memref<64xi32, #tpu.memory_space<vmem>>) semaphore(%run_scoped3A_144 : memref<!tpu.dma_semaphore, #tpu.memory_space<semaphore_mem>>) {add = true}
            %dma_wait3A_151 = arith.constant 0 : i32
            %dma_wait3A_152 = tpu.memref_slice %arg6[%add3A_83, %dma_wait3A_151] : memref<40x64xi32, #tpu.memory_space<vmem>> -> memref<1x64xi32, #tpu.memory_space<vmem>>
            %dma_wait3A_153 = tpu.memref_squeeze %dma_wait3A_152 : memref<1x64xi32, #tpu.memory_space<vmem>> -> memref<64xi32, #tpu.memory_space<vmem>>
            %dma_wait3A_154 = arith.constant 0 : i32
            %dma_wait3A_155 = arith.constant 0 : i32
            %dma_wait3A_156 = tpu.memref_slice %arg11[%dma_wait3A_154, %dma_wait3A_155] : memref<10240x128xf32, #tpu.memory_space<vmem_shared>> -> memref<10240x128xf32, #tpu.memory_space<vmem_shared>>
            tpu.wait_indirect_dma semaphore(%run_scoped3A_144 : memref<!tpu.dma_semaphore, #tpu.memory_space<semaphore_mem>>) src(%arg7 : memref<64x128xf32, #tpu.memory_space<vmem>>) dst(%dma_wait3A_156 : memref<10240x128xf32, #tpu.memory_space<vmem_shared>>)
            tpu.yield
          }) : () -> ()
          %add3A_84 = arith.constant 0 : i32
          %add3A_85 = arith.addi %add3A_76, %add3A_84 : i32
          %add3A_86 = arith.constant 4 : i32
          %add3A_87 = arith.addi %add3A_85, %add3A_86 : i32
          %lt3A_88 = arith.constant 40 : i32
          %lt3A_89 = arith.cmpi slt, %add3A_87, %lt3A_88 : i32
          %convert_element_type3A_90 = arith.extui %lt3A_89 : i1 to i32
          %cond3A_91 = arith.constant 0 : i32
          %cond3A_92 = arith.cmpi ne, %convert_element_type3A_90, %cond3A_91 : i32
          scf.if %cond3A_92 {
            %add3A_144 = arith.constant 0 : i32
            %add3A_145 = arith.addi %add3A_76, %add3A_144 : i32
            %add3A_146 = arith.constant 4 : i32
            %add3A_147 = arith.addi %add3A_145, %add3A_146 : i32
            %dma_start3A_148 = arith.constant 0 : i32
            %dma_start3A_149 = tpu.memref_slice %arg5[%add3A_147, %dma_start3A_148] : memref<40x64xi32, #tpu.memory_space<vmem>> -> memref<1x64xi32, #tpu.memory_space<vmem>>
            %dma_start3A_150 = tpu.memref_squeeze %dma_start3A_149 : memref<1x64xi32, #tpu.memory_space<vmem>> -> memref<64xi32, #tpu.memory_space<vmem>>
            %dma_start3A_151 = arith.constant 0 : i32
            %dma_start3A_152 = arith.constant 0 : i32
            %dma_start3A_153 = tpu.memref_slice %arg2[%dma_start3A_151, %dma_start3A_152] : memref<10000x128xf32, #tpu.memory_space<hbm>> -> memref<10000x128xf32, #tpu.memory_space<hbm>>
            tpu.enqueue_indirect_dma source(%dma_start3A_153 : memref<10000x128xf32, #tpu.memory_space<hbm>>) target(%arg7 : memref<64x128xf32, #tpu.memory_space<vmem>>) offsets(%dma_start3A_150 : memref<64xi32, #tpu.memory_space<vmem>>) semaphore(%arg12 : memref<!tpu.dma_semaphore, #tpu.memory_space<semaphore_mem>>)
          } else {
          }
          %dma_wait3A_93 = arith.constant 0 : i32
          %dma_wait3A_94 = arith.constant 0 : i32
          %dma_wait3A_95 = tpu.memref_slice %arg2[%dma_wait3A_93, %dma_wait3A_94] : memref<10000x128xf32, #tpu.memory_space<hbm>> -> memref<64x128xf32, #tpu.memory_space<hbm>>
          %dma_wait3A_96 = arith.constant 0 : i32
          %dma_wait3A_97 = arith.constant 0 : i32
          %dma_wait3A_98 = tpu.memref_slice %arg2[%dma_wait3A_96, %dma_wait3A_97] : memref<10000x128xf32, #tpu.memory_space<hbm>> -> memref<64x128xf32, #tpu.memory_space<hbm>>
          tpu.wait_dma2 semaphore(%arg13 : memref<!tpu.dma_semaphore, #tpu.memory_space<semaphore_mem>>) src(%dma_wait3A_98 : memref<64x128xf32, #tpu.memory_space<hbm>>) dst(%arg8 : memref<64x128xf32, #tpu.memory_space<vmem>>)
          %add3A_99 = arith.constant 1 : i32
          %add3A_100 = arith.addi %add3A_76, %add3A_99 : i32
          "tpu.region"() ({
            %run_scoped3A_144 = tpu.sem_alloc : memref<!tpu.dma_semaphore, #tpu.memory_space<semaphore_mem>>
            %dma_start3A_145 = arith.constant 0 : i32
            %dma_start3A_146 = tpu.memref_slice %arg6[%add3A_100, %dma_start3A_145] : memref<40x64xi32, #tpu.memory_space<vmem>> -> memref<1x64xi32, #tpu.memory_space<vmem>>
            %dma_start3A_147 = tpu.memref_squeeze %dma_start3A_146 : memref<1x64xi32, #tpu.memory_space<vmem>> -> memref<64xi32, #tpu.memory_space<vmem>>
            %dma_start3A_148 = arith.constant 0 : i32
            %dma_start3A_149 = arith.constant 0 : i32
            %dma_start3A_150 = tpu.memref_slice %arg11[%dma_start3A_148, %dma_start3A_149] : memref<10240x128xf32, #tpu.memory_space<vmem_shared>> -> memref<10240x128xf32, #tpu.memory_space<vmem_shared>>
            tpu.enqueue_indirect_dma source(%arg8 : memref<64x128xf32, #tpu.memory_space<vmem>>) target(%dma_start3A_150 : memref<10240x128xf32, #tpu.memory_space<vmem_shared>>) offsets(%dma_start3A_147 : memref<64xi32, #tpu.memory_space<vmem>>) semaphore(%run_scoped3A_144 : memref<!tpu.dma_semaphore, #tpu.memory_space<semaphore_mem>>) {add = true}
            %dma_wait3A_151 = arith.constant 0 : i32
            %dma_wait3A_152 = tpu.memref_slice %arg6[%add3A_100, %dma_wait3A_151] : memref<40x64xi32, #tpu.memory_space<vmem>> -> memref<1x64xi32, #tpu.memory_space<vmem>>
            %dma_wait3A_153 = tpu.memref_squeeze %dma_wait3A_152 : memref<1x64xi32, #tpu.memory_space<vmem>> -> memref<64xi32, #tpu.memory_space<vmem>>
            %dma_wait3A_154 = arith.constant 0 : i32
            %dma_wait3A_155 = arith.constant 0 : i32
            %dma_wait3A_156 = tpu.memref_slice %arg11[%dma_wait3A_154, %dma_wait3A_155] : memref<10240x128xf32, #tpu.memory_space<vmem_shared>> -> memref<10240x128xf32, #tpu.memory_space<vmem_shared>>
            tpu.wait_indirect_dma semaphore(%run_scoped3A_144 : memref<!tpu.dma_semaphore, #tpu.memory_space<semaphore_mem>>) src(%arg8 : memref<64x128xf32, #tpu.memory_space<vmem>>) dst(%dma_wait3A_156 : memref<10240x128xf32, #tpu.memory_space<vmem_shared>>)
            tpu.yield
          }) : () -> ()
          %add3A_101 = arith.constant 1 : i32
          %add3A_102 = arith.addi %add3A_76, %add3A_101 : i32
          %add3A_103 = arith.constant 4 : i32
          %add3A_104 = arith.addi %add3A_102, %add3A_103 : i32
          %lt3A_105 = arith.constant 40 : i32
          %lt3A_106 = arith.cmpi slt, %add3A_104, %lt3A_105 : i32
          %convert_element_type3A_107 = arith.extui %lt3A_106 : i1 to i32
          %cond3A_108 = arith.constant 0 : i32
          %cond3A_109 = arith.cmpi ne, %convert_element_type3A_107, %cond3A_108 : i32
          scf.if %cond3A_109 {
            %add3A_144 = arith.constant 1 : i32
            %add3A_145 = arith.addi %add3A_76, %add3A_144 : i32
            %add3A_146 = arith.constant 4 : i32
            %add3A_147 = arith.addi %add3A_145, %add3A_146 : i32
            %dma_start3A_148 = arith.constant 0 : i32
            %dma_start3A_149 = tpu.memref_slice %arg5[%add3A_147, %dma_start3A_148] : memref<40x64xi32, #tpu.memory_space<vmem>> -> memref<1x64xi32, #tpu.memory_space<vmem>>
            %dma_start3A_150 = tpu.memref_squeeze %dma_start3A_149 : memref<1x64xi32, #tpu.memory_space<vmem>> -> memref<64xi32, #tpu.memory_space<vmem>>
            %dma_start3A_151 = arith.constant 0 : i32
            %dma_start3A_152 = arith.constant 0 : i32
            %dma_start3A_153 = tpu.memref_slice %arg2[%dma_start3A_151, %dma_start3A_152] : memref<10000x128xf32, #tpu.memory_space<hbm>> -> memref<10000x128xf32, #tpu.memory_space<hbm>>
            tpu.enqueue_indirect_dma source(%dma_start3A_153 : memref<10000x128xf32, #tpu.memory_space<hbm>>) target(%arg8 : memref<64x128xf32, #tpu.memory_space<vmem>>) offsets(%dma_start3A_150 : memref<64xi32, #tpu.memory_space<vmem>>) semaphore(%arg13 : memref<!tpu.dma_semaphore, #tpu.memory_space<semaphore_mem>>)
          } else {
          }
          %dma_wait3A_110 = arith.constant 0 : i32
          %dma_wait3A_111 = arith.constant 0 : i32
          %dma_wait3A_112 = tpu.memref_slice %arg2[%dma_wait3A_110, %dma_wait3A_111] : memref<10000x128xf32, #tpu.memory_space<hbm>> -> memref<64x128xf32, #tpu.memory_space<hbm>>
          %dma_wait3A_113 = arith.constant 0 : i32
          %dma_wait3A_114 = arith.constant 0 : i32
          %dma_wait3A_115 = tpu.memref_slice %arg2[%dma_wait3A_113, %dma_wait3A_114] : memref<10000x128xf32, #tpu.memory_space<hbm>> -> memref<64x128xf32, #tpu.memory_space<hbm>>
          tpu.wait_dma2 semaphore(%arg14 : memref<!tpu.dma_semaphore, #tpu.memory_space<semaphore_mem>>) src(%dma_wait3A_115 : memref<64x128xf32, #tpu.memory_space<hbm>>) dst(%arg9 : memref<64x128xf32, #tpu.memory_space<vmem>>)
          %add3A_116 = arith.constant 2 : i32
          %add3A_117 = arith.addi %add3A_76, %add3A_116 : i32
          "tpu.region"() ({
            %run_scoped3A_144 = tpu.sem_alloc : memref<!tpu.dma_semaphore, #tpu.memory_space<semaphore_mem>>
            %dma_start3A_145 = arith.constant 0 : i32
            %dma_start3A_146 = tpu.memref_slice %arg6[%add3A_117, %dma_start3A_145] : memref<40x64xi32, #tpu.memory_space<vmem>> -> memref<1x64xi32, #tpu.memory_space<vmem>>
            %dma_start3A_147 = tpu.memref_squeeze %dma_start3A_146 : memref<1x64xi32, #tpu.memory_space<vmem>> -> memref<64xi32, #tpu.memory_space<vmem>>
            %dma_start3A_148 = arith.constant 0 : i32
            %dma_start3A_149 = arith.constant 0 : i32
            %dma_start3A_150 = tpu.memref_slice %arg11[%dma_start3A_148, %dma_start3A_149] : memref<10240x128xf32, #tpu.memory_space<vmem_shared>> -> memref<10240x128xf32, #tpu.memory_space<vmem_shared>>
            tpu.enqueue_indirect_dma source(%arg9 : memref<64x128xf32, #tpu.memory_space<vmem>>) target(%dma_start3A_150 : memref<10240x128xf32, #tpu.memory_space<vmem_shared>>) offsets(%dma_start3A_147 : memref<64xi32, #tpu.memory_space<vmem>>) semaphore(%run_scoped3A_144 : memref<!tpu.dma_semaphore, #tpu.memory_space<semaphore_mem>>) {add = true}
            %dma_wait3A_151 = arith.constant 0 : i32
            %dma_wait3A_152 = tpu.memref_slice %arg6[%add3A_117, %dma_wait3A_151] : memref<40x64xi32, #tpu.memory_space<vmem>> -> memref<1x64xi32, #tpu.memory_space<vmem>>
            %dma_wait3A_153 = tpu.memref_squeeze %dma_wait3A_152 : memref<1x64xi32, #tpu.memory_space<vmem>> -> memref<64xi32, #tpu.memory_space<vmem>>
            %dma_wait3A_154 = arith.constant 0 : i32
            %dma_wait3A_155 = arith.constant 0 : i32
            %dma_wait3A_156 = tpu.memref_slice %arg11[%dma_wait3A_154, %dma_wait3A_155] : memref<10240x128xf32, #tpu.memory_space<vmem_shared>> -> memref<10240x128xf32, #tpu.memory_space<vmem_shared>>
            tpu.wait_indirect_dma semaphore(%run_scoped3A_144 : memref<!tpu.dma_semaphore, #tpu.memory_space<semaphore_mem>>) src(%arg9 : memref<64x128xf32, #tpu.memory_space<vmem>>) dst(%dma_wait3A_156 : memref<10240x128xf32, #tpu.memory_space<vmem_shared>>)
            tpu.yield
          }) : () -> ()
          %add3A_118 = arith.constant 2 : i32
          %add3A_119 = arith.addi %add3A_76, %add3A_118 : i32
          %add3A_120 = arith.constant 4 : i32
          %add3A_121 = arith.addi %add3A_119, %add3A_120 : i32
          %lt3A_122 = arith.constant 40 : i32
          %lt3A_123 = arith.cmpi slt, %add3A_121, %lt3A_122 : i32
          %convert_element_type3A_124 = arith.extui %lt3A_123 : i1 to i32
          %cond3A_125 = arith.constant 0 : i32
          %cond3A_126 = arith.cmpi ne, %convert_element_type3A_124, %cond3A_125 : i32
          scf.if %cond3A_126 {
            %add3A_144 = arith.constant 2 : i32
            %add3A_145 = arith.addi %add3A_76, %add3A_144 : i32
            %add3A_146 = arith.constant 4 : i32
            %add3A_147 = arith.addi %add3A_145, %add3A_146 : i32
            %dma_start3A_148 = arith.constant 0 : i32
            %dma_start3A_149 = tpu.memref_slice %arg5[%add3A_147, %dma_start3A_148] : memref<40x64xi32, #tpu.memory_space<vmem>> -> memref<1x64xi32, #tpu.memory_space<vmem>>
            %dma_start3A_150 = tpu.memref_squeeze %dma_start3A_149 : memref<1x64xi32, #tpu.memory_space<vmem>> -> memref<64xi32, #tpu.memory_space<vmem>>
            %dma_start3A_151 = arith.constant 0 : i32
            %dma_start3A_152 = arith.constant 0 : i32
            %dma_start3A_153 = tpu.memref_slice %arg2[%dma_start3A_151, %dma_start3A_152] : memref<10000x128xf32, #tpu.memory_space<hbm>> -> memref<10000x128xf32, #tpu.memory_space<hbm>>
            tpu.enqueue_indirect_dma source(%dma_start3A_153 : memref<10000x128xf32, #tpu.memory_space<hbm>>) target(%arg9 : memref<64x128xf32, #tpu.memory_space<vmem>>) offsets(%dma_start3A_150 : memref<64xi32, #tpu.memory_space<vmem>>) semaphore(%arg14 : memref<!tpu.dma_semaphore, #tpu.memory_space<semaphore_mem>>)
          } else {
          }
          %dma_wait3A_127 = arith.constant 0 : i32
          %dma_wait3A_128 = arith.constant 0 : i32
          %dma_wait3A_129 = tpu.memref_slice %arg2[%dma_wait3A_127, %dma_wait3A_128] : memref<10000x128xf32, #tpu.memory_space<hbm>> -> memref<64x128xf32, #tpu.memory_space<hbm>>
          %dma_wait3A_130 = arith.constant 0 : i32
          %dma_wait3A_131 = arith.constant 0 : i32
          %dma_wait3A_132 = tpu.memref_slice %arg2[%dma_wait3A_130, %dma_wait3A_131] : memref<10000x128xf32, #tpu.memory_space<hbm>> -> memref<64x128xf32, #tpu.memory_space<hbm>>
          tpu.wait_dma2 semaphore(%arg15 : memref<!tpu.dma_semaphore, #tpu.memory_space<semaphore_mem>>) src(%dma_wait3A_132 : memref<64x128xf32, #tpu.memory_space<hbm>>) dst(%arg10 : memref<64x128xf32, #tpu.memory_space<vmem>>)
          %add3A_133 = arith.constant 3 : i32
          %add3A_134 = arith.addi %add3A_76, %add3A_133 : i32
          "tpu.region"() ({
            %run_scoped3A_144 = tpu.sem_alloc : memref<!tpu.dma_semaphore, #tpu.memory_space<semaphore_mem>>
            %dma_start3A_145 = arith.constant 0 : i32
            %dma_start3A_146 = tpu.memref_slice %arg6[%add3A_134, %dma_start3A_145] : memref<40x64xi32, #tpu.memory_space<vmem>> -> memref<1x64xi32, #tpu.memory_space<vmem>>
            %dma_start3A_147 = tpu.memref_squeeze %dma_start3A_146 : memref<1x64xi32, #tpu.memory_space<vmem>> -> memref<64xi32, #tpu.memory_space<vmem>>
            %dma_start3A_148 = arith.constant 0 : i32
            %dma_start3A_149 = arith.constant 0 : i32
            %dma_start3A_150 = tpu.memref_slice %arg11[%dma_start3A_148, %dma_start3A_149] : memref<10240x128xf32, #tpu.memory_space<vmem_shared>> -> memref<10240x128xf32, #tpu.memory_space<vmem_shared>>
            tpu.enqueue_indirect_dma source(%arg10 : memref<64x128xf32, #tpu.memory_space<vmem>>) target(%dma_start3A_150 : memref<10240x128xf32, #tpu.memory_space<vmem_shared>>) offsets(%dma_start3A_147 : memref<64xi32, #tpu.memory_space<vmem>>) semaphore(%run_scoped3A_144 : memref<!tpu.dma_semaphore, #tpu.memory_space<semaphore_mem>>) {add = true}
            %dma_wait3A_151 = arith.constant 0 : i32
            %dma_wait3A_152 = tpu.memref_slice %arg6[%add3A_134, %dma_wait3A_151] : memref<40x64xi32, #tpu.memory_space<vmem>> -> memref<1x64xi32, #tpu.memory_space<vmem>>
            %dma_wait3A_153 = tpu.memref_squeeze %dma_wait3A_152 : memref<1x64xi32, #tpu.memory_space<vmem>> -> memref<64xi32, #tpu.memory_space<vmem>>
            %dma_wait3A_154 = arith.constant 0 : i32
            %dma_wait3A_155 = arith.constant 0 : i32
            %dma_wait3A_156 = tpu.memref_slice %arg11[%dma_wait3A_154, %dma_wait3A_155] : memref<10240x128xf32, #tpu.memory_space<vmem_shared>> -> memref<10240x128xf32, #tpu.memory_space<vmem_shared>>
            tpu.wait_indirect_dma semaphore(%run_scoped3A_144 : memref<!tpu.dma_semaphore, #tpu.memory_space<semaphore_mem>>) src(%arg10 : memref<64x128xf32, #tpu.memory_space<vmem>>) dst(%dma_wait3A_156 : memref<10240x128xf32, #tpu.memory_space<vmem_shared>>)
            tpu.yield
          }) : () -> ()
          %add3A_135 = arith.constant 3 : i32
          %add3A_136 = arith.addi %add3A_76, %add3A_135 : i32
          %add3A_137 = arith.constant 4 : i32
          %add3A_138 = arith.addi %add3A_136, %add3A_137 : i32
          %lt3A_139 = arith.constant 40 : i32
          %lt3A_140 = arith.cmpi slt, %add3A_138, %lt3A_139 : i32
          %convert_element_type3A_141 = arith.extui %lt3A_140 : i1 to i32
          %cond3A_142 = arith.constant 0 : i32
          %cond3A_143 = arith.cmpi ne, %convert_element_type3A_141, %cond3A_142 : i32
          scf.if %cond3A_143 {
            %add3A_144 = arith.constant 3 : i32
            %add3A_145 = arith.addi %add3A_76, %add3A_144 : i32
            %add3A_146 = arith.constant 4 : i32
            %add3A_147 = arith.addi %add3A_145, %add3A_146 : i32
            %dma_start3A_148 = arith.constant 0 : i32
            %dma_start3A_149 = tpu.memref_slice %arg5[%add3A_147, %dma_start3A_148] : memref<40x64xi32, #tpu.memory_space<vmem>> -> memref<1x64xi32, #tpu.memory_space<vmem>>
            %dma_start3A_150 = tpu.memref_squeeze %dma_start3A_149 : memref<1x64xi32, #tpu.memory_space<vmem>> -> memref<64xi32, #tpu.memory_space<vmem>>
            %dma_start3A_151 = arith.constant 0 : i32
            %dma_start3A_152 = arith.constant 0 : i32
            %dma_start3A_153 = tpu.memref_slice %arg2[%dma_start3A_151, %dma_start3A_152] : memref<10000x128xf32, #tpu.memory_space<hbm>> -> memref<10000x128xf32, #tpu.memory_space<hbm>>
            tpu.enqueue_indirect_dma source(%dma_start3A_153 : memref<10000x128xf32, #tpu.memory_space<hbm>>) target(%arg10 : memref<64x128xf32, #tpu.memory_space<vmem>>) offsets(%dma_start3A_150 : memref<64xi32, #tpu.memory_space<vmem>>) semaphore(%arg15 : memref<!tpu.dma_semaphore, #tpu.memory_space<semaphore_mem>>)
          } else {
          }
        }
        %scan3A_71 = arith.constant 10 : i32
      }
      %scan3A_32 = arith.constant 4 : i32
    } else {
    }
    %eq3A_12 = arith.constant 1 : i32
    %eq3A_13 = arith.cmpi eq, %arg0, %eq3A_12 : i32
    %convert_element_type3A_14 = arith.extui %eq3A_13 : i1 to i32
    %cond3A_15 = arith.constant 0 : i32
    %cond3A_16 = arith.cmpi ne, %convert_element_type3A_14, %cond3A_15 : i32
    scf.if %cond3A_16 {
      %mul3A = arith.constant 160 : i32
      %mul3A_27 = arith.muli %arg1, %mul3A : i32
      %add3A = arith.constant 2560 : i32
      %add3A_28 = arith.addi %add3A, %mul3A_27 : i32
      %scan3A_29 = arith.constant 0 : i32
      %scan3A_30 = arith.constant 4 : i32
      %scan3A_31 = arith.addi %scan3A_29, %scan3A_30 : i32
      %scan3A_32 = arith.constant 1 : i32
      scf.for %scan3A_34 = %scan3A_29 to %scan3A_31 step %scan3A_32  : i32 {
        %mul3A_35 = arith.constant 40 : i32
        %mul3A_36 = arith.muli %scan3A_34, %mul3A_35 : i32
        %add3A_37 = arith.constant 0 : i32
        %add3A_38 = arith.addi %add3A_37, %mul3A_36 : i32
        %add3A_39 = arith.addi %add3A_28, %add3A_38 : i32
        %run_scoped3A = arith.constant 0 : i32
        "tpu.region"() ({
          %run_scoped3A_74 = tpu.sem_alloc : memref<!tpu.dma_semaphore, #tpu.memory_space<semaphore_mem>>
          %dma_start3A_75 = arith.constant 0 : i32
          %dma_start3A_76 = tpu.memref_slice %arg3[%run_scoped3A, %add3A_39, %dma_start3A_75] : memref<2x5120x64xi32, #tpu.memory_space<hbm>> -> memref<1x40x64xi32, #tpu.memory_space<hbm>>
          %dma_start3A_77 = tpu.memref_squeeze %dma_start3A_76 : memref<1x40x64xi32, #tpu.memory_space<hbm>> -> memref<40x64xi32, #tpu.memory_space<hbm>>
          %dma_start3A_78 = arith.constant 0 : i32
          %dma_start3A_79 = tpu.memref_slice %arg3[%run_scoped3A, %add3A_39, %dma_start3A_78] : memref<2x5120x64xi32, #tpu.memory_space<hbm>> -> memref<1x40x64xi32, #tpu.memory_space<hbm>>
          %dma_start3A_80 = tpu.memref_squeeze %dma_start3A_79 : memref<1x40x64xi32, #tpu.memory_space<hbm>> -> memref<40x64xi32, #tpu.memory_space<hbm>>
          tpu.enqueue_dma source(%dma_start3A_80 : memref<40x64xi32, #tpu.memory_space<hbm>>) target(%arg5 : memref<40x64xi32, #tpu.memory_space<vmem>>) target_semaphore(%run_scoped3A_74 : memref<!tpu.dma_semaphore, #tpu.memory_space<semaphore_mem>>)
          %dma_wait3A = arith.constant 0 : i32
          %dma_wait3A_81 = tpu.memref_slice %arg3[%run_scoped3A, %add3A_39, %dma_wait3A] : memref<2x5120x64xi32, #tpu.memory_space<hbm>> -> memref<1x40x64xi32, #tpu.memory_space<hbm>>
          %dma_wait3A_82 = tpu.memref_squeeze %dma_wait3A_81 : memref<1x40x64xi32, #tpu.memory_space<hbm>> -> memref<40x64xi32, #tpu.memory_space<hbm>>
          %dma_wait3A_83 = arith.constant 0 : i32
          %dma_wait3A_84 = tpu.memref_slice %arg3[%run_scoped3A, %add3A_39, %dma_wait3A_83] : memref<2x5120x64xi32, #tpu.memory_space<hbm>> -> memref<1x40x64xi32, #tpu.memory_space<hbm>>
          %dma_wait3A_85 = tpu.memref_squeeze %dma_wait3A_84 : memref<1x40x64xi32, #tpu.memory_space<hbm>> -> memref<40x64xi32, #tpu.memory_space<hbm>>
          tpu.wait_dma2 semaphore(%run_scoped3A_74 : memref<!tpu.dma_semaphore, #tpu.memory_space<semaphore_mem>>) src(%dma_wait3A_85 : memref<40x64xi32, #tpu.memory_space<hbm>>) dst(%arg5 : memref<40x64xi32, #tpu.memory_space<vmem>>)
          tpu.yield
        }) : () -> ()
        %add3A_40 = arith.addi %add3A_28, %add3A_38 : i32
        %run_scoped3A_41 = arith.constant 1 : i32
        "tpu.region"() ({
          %run_scoped3A_74 = tpu.sem_alloc : memref<!tpu.dma_semaphore, #tpu.memory_space<semaphore_mem>>
          %dma_start3A_75 = arith.constant 0 : i32
          %dma_start3A_76 = tpu.memref_slice %arg3[%run_scoped3A_41, %add3A_40, %dma_start3A_75] : memref<2x5120x64xi32, #tpu.memory_space<hbm>> -> memref<1x40x64xi32, #tpu.memory_space<hbm>>
          %dma_start3A_77 = tpu.memref_squeeze %dma_start3A_76 : memref<1x40x64xi32, #tpu.memory_space<hbm>> -> memref<40x64xi32, #tpu.memory_space<hbm>>
          %dma_start3A_78 = arith.constant 0 : i32
          %dma_start3A_79 = tpu.memref_slice %arg3[%run_scoped3A_41, %add3A_40, %dma_start3A_78] : memref<2x5120x64xi32, #tpu.memory_space<hbm>> -> memref<1x40x64xi32, #tpu.memory_space<hbm>>
          %dma_start3A_80 = tpu.memref_squeeze %dma_start3A_79 : memref<1x40x64xi32, #tpu.memory_space<hbm>> -> memref<40x64xi32, #tpu.memory_space<hbm>>
          tpu.enqueue_dma source(%dma_start3A_80 : memref<40x64xi32, #tpu.memory_space<hbm>>) target(%arg6 : memref<40x64xi32, #tpu.memory_space<vmem>>) target_semaphore(%run_scoped3A_74 : memref<!tpu.dma_semaphore, #tpu.memory_space<semaphore_mem>>)
          %dma_wait3A = arith.constant 0 : i32
          %dma_wait3A_81 = tpu.memref_slice %arg3[%run_scoped3A_41, %add3A_40, %dma_wait3A] : memref<2x5120x64xi32, #tpu.memory_space<hbm>> -> memref<1x40x64xi32, #tpu.memory_space<hbm>>
          %dma_wait3A_82 = tpu.memref_squeeze %dma_wait3A_81 : memref<1x40x64xi32, #tpu.memory_space<hbm>> -> memref<40x64xi32, #tpu.memory_space<hbm>>
          %dma_wait3A_83 = arith.constant 0 : i32
          %dma_wait3A_84 = tpu.memref_slice %arg3[%run_scoped3A_41, %add3A_40, %dma_wait3A_83] : memref<2x5120x64xi32, #tpu.memory_space<hbm>> -> memref<1x40x64xi32, #tpu.memory_space<hbm>>
          %dma_wait3A_85 = tpu.memref_squeeze %dma_wait3A_84 : memref<1x40x64xi32, #tpu.memory_space<hbm>> -> memref<40x64xi32, #tpu.memory_space<hbm>>
          tpu.wait_dma2 semaphore(%run_scoped3A_74 : memref<!tpu.dma_semaphore, #tpu.memory_space<semaphore_mem>>) src(%dma_wait3A_85 : memref<40x64xi32, #tpu.memory_space<hbm>>) dst(%arg6 : memref<40x64xi32, #tpu.memory_space<vmem>>)
          tpu.yield
        }) : () -> ()
        %dma_start3A = arith.constant 0 : i32
        %dma_start3A_42 = arith.constant 0 : i32
        %dma_start3A_43 = tpu.memref_slice %arg5[%dma_start3A, %dma_start3A_42] : memref<40x64xi32, #tpu.memory_space<vmem>> -> memref<1x64xi32, #tpu.memory_space<vmem>>
        %dma_start3A_44 = tpu.memref_squeeze %dma_start3A_43 : memref<1x64xi32, #tpu.memory_space<vmem>> -> memref<64xi32, #tpu.memory_space<vmem>>
        %dma_start3A_45 = arith.constant 0 : i32
        %dma_start3A_46 = arith.constant 0 : i32
        %dma_start3A_47 = tpu.memref_slice %arg2[%dma_start3A_45, %dma_start3A_46] : memref<10000x128xf32, #tpu.memory_space<hbm>> -> memref<10000x128xf32, #tpu.memory_space<hbm>>
        tpu.enqueue_indirect_dma source(%dma_start3A_47 : memref<10000x128xf32, #tpu.memory_space<hbm>>) target(%arg7 : memref<64x128xf32, #tpu.memory_space<vmem>>) offsets(%dma_start3A_44 : memref<64xi32, #tpu.memory_space<vmem>>) semaphore(%arg12 : memref<!tpu.dma_semaphore, #tpu.memory_space<semaphore_mem>>)
        %dma_start3A_48 = arith.constant 1 : i32
        %dma_start3A_49 = arith.constant 0 : i32
        %dma_start3A_50 = tpu.memref_slice %arg5[%dma_start3A_48, %dma_start3A_49] : memref<40x64xi32, #tpu.memory_space<vmem>> -> memref<1x64xi32, #tpu.memory_space<vmem>>
        %dma_start3A_51 = tpu.memref_squeeze %dma_start3A_50 : memref<1x64xi32, #tpu.memory_space<vmem>> -> memref<64xi32, #tpu.memory_space<vmem>>
        %dma_start3A_52 = arith.constant 0 : i32
        %dma_start3A_53 = arith.constant 0 : i32
        %dma_start3A_54 = tpu.memref_slice %arg2[%dma_start3A_52, %dma_start3A_53] : memref<10000x128xf32, #tpu.memory_space<hbm>> -> memref<10000x128xf32, #tpu.memory_space<hbm>>
        tpu.enqueue_indirect_dma source(%dma_start3A_54 : memref<10000x128xf32, #tpu.memory_space<hbm>>) target(%arg8 : memref<64x128xf32, #tpu.memory_space<vmem>>) offsets(%dma_start3A_51 : memref<64xi32, #tpu.memory_space<vmem>>) semaphore(%arg13 : memref<!tpu.dma_semaphore, #tpu.memory_space<semaphore_mem>>)
        %dma_start3A_55 = arith.constant 2 : i32
        %dma_start3A_56 = arith.constant 0 : i32
        %dma_start3A_57 = tpu.memref_slice %arg5[%dma_start3A_55, %dma_start3A_56] : memref<40x64xi32, #tpu.memory_space<vmem>> -> memref<1x64xi32, #tpu.memory_space<vmem>>
        %dma_start3A_58 = tpu.memref_squeeze %dma_start3A_57 : memref<1x64xi32, #tpu.memory_space<vmem>> -> memref<64xi32, #tpu.memory_space<vmem>>
        %dma_start3A_59 = arith.constant 0 : i32
        %dma_start3A_60 = arith.constant 0 : i32
        %dma_start3A_61 = tpu.memref_slice %arg2[%dma_start3A_59, %dma_start3A_60] : memref<10000x128xf32, #tpu.memory_space<hbm>> -> memref<10000x128xf32, #tpu.memory_space<hbm>>
        tpu.enqueue_indirect_dma source(%dma_start3A_61 : memref<10000x128xf32, #tpu.memory_space<hbm>>) target(%arg9 : memref<64x128xf32, #tpu.memory_space<vmem>>) offsets(%dma_start3A_58 : memref<64xi32, #tpu.memory_space<vmem>>) semaphore(%arg14 : memref<!tpu.dma_semaphore, #tpu.memory_space<semaphore_mem>>)
        %dma_start3A_62 = arith.constant 3 : i32
        %dma_start3A_63 = arith.constant 0 : i32
        %dma_start3A_64 = tpu.memref_slice %arg5[%dma_start3A_62, %dma_start3A_63] : memref<40x64xi32, #tpu.memory_space<vmem>> -> memref<1x64xi32, #tpu.memory_space<vmem>>
        %dma_start3A_65 = tpu.memref_squeeze %dma_start3A_64 : memref<1x64xi32, #tpu.memory_space<vmem>> -> memref<64xi32, #tpu.memory_space<vmem>>
        %dma_start3A_66 = arith.constant 0 : i32
        %dma_start3A_67 = arith.constant 0 : i32
        %dma_start3A_68 = tpu.memref_slice %arg2[%dma_start3A_66, %dma_start3A_67] : memref<10000x128xf32, #tpu.memory_space<hbm>> -> memref<10000x128xf32, #tpu.memory_space<hbm>>
        tpu.enqueue_indirect_dma source(%dma_start3A_68 : memref<10000x128xf32, #tpu.memory_space<hbm>>) target(%arg10 : memref<64x128xf32, #tpu.memory_space<vmem>>) offsets(%dma_start3A_65 : memref<64xi32, #tpu.memory_space<vmem>>) semaphore(%arg15 : memref<!tpu.dma_semaphore, #tpu.memory_space<semaphore_mem>>)
        %scan3A_69 = arith.constant 0 : i32
        %scan3A_70 = arith.constant 10 : i32
        %scan3A_71 = arith.addi %scan3A_69, %scan3A_70 : i32
        %scan3A_72 = arith.constant 1 : i32
        scf.for %scan3A_74 = %scan3A_69 to %scan3A_71 step %scan3A_72  : i32 {
          %mul3A_75 = arith.constant 4 : i32
          %mul3A_76 = arith.muli %scan3A_74, %mul3A_75 : i32
          %add3A_77 = arith.constant 0 : i32
          %add3A_78 = arith.addi %add3A_77, %mul3A_76 : i32
          %dma_wait3A = arith.constant 0 : i32
          %dma_wait3A_79 = arith.constant 0 : i32
          %dma_wait3A_80 = tpu.memref_slice %arg2[%dma_wait3A, %dma_wait3A_79] : memref<10000x128xf32, #tpu.memory_space<hbm>> -> memref<64x128xf32, #tpu.memory_space<hbm>>
          %dma_wait3A_81 = arith.constant 0 : i32
          %dma_wait3A_82 = arith.constant 0 : i32
          %dma_wait3A_83 = tpu.memref_slice %arg2[%dma_wait3A_81, %dma_wait3A_82] : memref<10000x128xf32, #tpu.memory_space<hbm>> -> memref<64x128xf32, #tpu.memory_space<hbm>>
          tpu.wait_dma2 semaphore(%arg12 : memref<!tpu.dma_semaphore, #tpu.memory_space<semaphore_mem>>) src(%dma_wait3A_83 : memref<64x128xf32, #tpu.memory_space<hbm>>) dst(%arg7 : memref<64x128xf32, #tpu.memory_space<vmem>>)
          %add3A_84 = arith.constant 0 : i32
          %add3A_85 = arith.addi %add3A_78, %add3A_84 : i32
          "tpu.region"() ({
            %run_scoped3A_146 = tpu.sem_alloc : memref<!tpu.dma_semaphore, #tpu.memory_space<semaphore_mem>>
            %dma_start3A_147 = arith.constant 0 : i32
            %dma_start3A_148 = tpu.memref_slice %arg6[%add3A_85, %dma_start3A_147] : memref<40x64xi32, #tpu.memory_space<vmem>> -> memref<1x64xi32, #tpu.memory_space<vmem>>
            %dma_start3A_149 = tpu.memref_squeeze %dma_start3A_148 : memref<1x64xi32, #tpu.memory_space<vmem>> -> memref<64xi32, #tpu.memory_space<vmem>>
            %dma_start3A_150 = arith.constant 0 : i32
            %dma_start3A_151 = arith.constant 0 : i32
            %dma_start3A_152 = tpu.memref_slice %arg11[%dma_start3A_150, %dma_start3A_151] : memref<10240x128xf32, #tpu.memory_space<vmem_shared>> -> memref<10240x128xf32, #tpu.memory_space<vmem_shared>>
            tpu.enqueue_indirect_dma source(%arg7 : memref<64x128xf32, #tpu.memory_space<vmem>>) target(%dma_start3A_152 : memref<10240x128xf32, #tpu.memory_space<vmem_shared>>) offsets(%dma_start3A_149 : memref<64xi32, #tpu.memory_space<vmem>>) semaphore(%run_scoped3A_146 : memref<!tpu.dma_semaphore, #tpu.memory_space<semaphore_mem>>) {add = true}
            %dma_wait3A_153 = arith.constant 0 : i32
            %dma_wait3A_154 = tpu.memref_slice %arg6[%add3A_85, %dma_wait3A_153] : memref<40x64xi32, #tpu.memory_space<vmem>> -> memref<1x64xi32, #tpu.memory_space<vmem>>
            %dma_wait3A_155 = tpu.memref_squeeze %dma_wait3A_154 : memref<1x64xi32, #tpu.memory_space<vmem>> -> memref<64xi32, #tpu.memory_space<vmem>>
            %dma_wait3A_156 = arith.constant 0 : i32
            %dma_wait3A_157 = arith.constant 0 : i32
            %dma_wait3A_158 = tpu.memref_slice %arg11[%dma_wait3A_156, %dma_wait3A_157] : memref<10240x128xf32, #tpu.memory_space<vmem_shared>> -> memref<10240x128xf32, #tpu.memory_space<vmem_shared>>
            tpu.wait_indirect_dma semaphore(%run_scoped3A_146 : memref<!tpu.dma_semaphore, #tpu.memory_space<semaphore_mem>>) src(%arg7 : memref<64x128xf32, #tpu.memory_space<vmem>>) dst(%dma_wait3A_158 : memref<10240x128xf32, #tpu.memory_space<vmem_shared>>)
            tpu.yield
          }) : () -> ()
          %add3A_86 = arith.constant 0 : i32
          %add3A_87 = arith.addi %add3A_78, %add3A_86 : i32
          %add3A_88 = arith.constant 4 : i32
          %add3A_89 = arith.addi %add3A_87, %add3A_88 : i32
          %lt3A_90 = arith.constant 40 : i32
          %lt3A_91 = arith.cmpi slt, %add3A_89, %lt3A_90 : i32
          %convert_element_type3A_92 = arith.extui %lt3A_91 : i1 to i32
          %cond3A_93 = arith.constant 0 : i32
          %cond3A_94 = arith.cmpi ne, %convert_element_type3A_92, %cond3A_93 : i32
          scf.if %cond3A_94 {
            %add3A_146 = arith.constant 0 : i32
            %add3A_147 = arith.addi %add3A_78, %add3A_146 : i32
            %add3A_148 = arith.constant 4 : i32
            %add3A_149 = arith.addi %add3A_147, %add3A_148 : i32
            %dma_start3A_150 = arith.constant 0 : i32
            %dma_start3A_151 = tpu.memref_slice %arg5[%add3A_149, %dma_start3A_150] : memref<40x64xi32, #tpu.memory_space<vmem>> -> memref<1x64xi32, #tpu.memory_space<vmem>>
            %dma_start3A_152 = tpu.memref_squeeze %dma_start3A_151 : memref<1x64xi32, #tpu.memory_space<vmem>> -> memref<64xi32, #tpu.memory_space<vmem>>
            %dma_start3A_153 = arith.constant 0 : i32
            %dma_start3A_154 = arith.constant 0 : i32
            %dma_start3A_155 = tpu.memref_slice %arg2[%dma_start3A_153, %dma_start3A_154] : memref<10000x128xf32, #tpu.memory_space<hbm>> -> memref<10000x128xf32, #tpu.memory_space<hbm>>
            tpu.enqueue_indirect_dma source(%dma_start3A_155 : memref<10000x128xf32, #tpu.memory_space<hbm>>) target(%arg7 : memref<64x128xf32, #tpu.memory_space<vmem>>) offsets(%dma_start3A_152 : memref<64xi32, #tpu.memory_space<vmem>>) semaphore(%arg12 : memref<!tpu.dma_semaphore, #tpu.memory_space<semaphore_mem>>)
          } else {
          }
          %dma_wait3A_95 = arith.constant 0 : i32
          %dma_wait3A_96 = arith.constant 0 : i32
          %dma_wait3A_97 = tpu.memref_slice %arg2[%dma_wait3A_95, %dma_wait3A_96] : memref<10000x128xf32, #tpu.memory_space<hbm>> -> memref<64x128xf32, #tpu.memory_space<hbm>>
          %dma_wait3A_98 = arith.constant 0 : i32
          %dma_wait3A_99 = arith.constant 0 : i32
          %dma_wait3A_100 = tpu.memref_slice %arg2[%dma_wait3A_98, %dma_wait3A_99] : memref<10000x128xf32, #tpu.memory_space<hbm>> -> memref<64x128xf32, #tpu.memory_space<hbm>>
          tpu.wait_dma2 semaphore(%arg13 : memref<!tpu.dma_semaphore, #tpu.memory_space<semaphore_mem>>) src(%dma_wait3A_100 : memref<64x128xf32, #tpu.memory_space<hbm>>) dst(%arg8 : memref<64x128xf32, #tpu.memory_space<vmem>>)
          %add3A_101 = arith.constant 1 : i32
          %add3A_102 = arith.addi %add3A_78, %add3A_101 : i32
          "tpu.region"() ({
            %run_scoped3A_146 = tpu.sem_alloc : memref<!tpu.dma_semaphore, #tpu.memory_space<semaphore_mem>>
            %dma_start3A_147 = arith.constant 0 : i32
            %dma_start3A_148 = tpu.memref_slice %arg6[%add3A_102, %dma_start3A_147] : memref<40x64xi32, #tpu.memory_space<vmem>> -> memref<1x64xi32, #tpu.memory_space<vmem>>
            %dma_start3A_149 = tpu.memref_squeeze %dma_start3A_148 : memref<1x64xi32, #tpu.memory_space<vmem>> -> memref<64xi32, #tpu.memory_space<vmem>>
            %dma_start3A_150 = arith.constant 0 : i32
            %dma_start3A_151 = arith.constant 0 : i32
            %dma_start3A_152 = tpu.memref_slice %arg11[%dma_start3A_150, %dma_start3A_151] : memref<10240x128xf32, #tpu.memory_space<vmem_shared>> -> memref<10240x128xf32, #tpu.memory_space<vmem_shared>>
            tpu.enqueue_indirect_dma source(%arg8 : memref<64x128xf32, #tpu.memory_space<vmem>>) target(%dma_start3A_152 : memref<10240x128xf32, #tpu.memory_space<vmem_shared>>) offsets(%dma_start3A_149 : memref<64xi32, #tpu.memory_space<vmem>>) semaphore(%run_scoped3A_146 : memref<!tpu.dma_semaphore, #tpu.memory_space<semaphore_mem>>) {add = true}
            %dma_wait3A_153 = arith.constant 0 : i32
            %dma_wait3A_154 = tpu.memref_slice %arg6[%add3A_102, %dma_wait3A_153] : memref<40x64xi32, #tpu.memory_space<vmem>> -> memref<1x64xi32, #tpu.memory_space<vmem>>
            %dma_wait3A_155 = tpu.memref_squeeze %dma_wait3A_154 : memref<1x64xi32, #tpu.memory_space<vmem>> -> memref<64xi32, #tpu.memory_space<vmem>>
            %dma_wait3A_156 = arith.constant 0 : i32
            %dma_wait3A_157 = arith.constant 0 : i32
            %dma_wait3A_158 = tpu.memref_slice %arg11[%dma_wait3A_156, %dma_wait3A_157] : memref<10240x128xf32, #tpu.memory_space<vmem_shared>> -> memref<10240x128xf32, #tpu.memory_space<vmem_shared>>
            tpu.wait_indirect_dma semaphore(%run_scoped3A_146 : memref<!tpu.dma_semaphore, #tpu.memory_space<semaphore_mem>>) src(%arg8 : memref<64x128xf32, #tpu.memory_space<vmem>>) dst(%dma_wait3A_158 : memref<10240x128xf32, #tpu.memory_space<vmem_shared>>)
            tpu.yield
          }) : () -> ()
          %add3A_103 = arith.constant 1 : i32
          %add3A_104 = arith.addi %add3A_78, %add3A_103 : i32
          %add3A_105 = arith.constant 4 : i32
          %add3A_106 = arith.addi %add3A_104, %add3A_105 : i32
          %lt3A_107 = arith.constant 40 : i32
          %lt3A_108 = arith.cmpi slt, %add3A_106, %lt3A_107 : i32
          %convert_element_type3A_109 = arith.extui %lt3A_108 : i1 to i32
          %cond3A_110 = arith.constant 0 : i32
          %cond3A_111 = arith.cmpi ne, %convert_element_type3A_109, %cond3A_110 : i32
          scf.if %cond3A_111 {
            %add3A_146 = arith.constant 1 : i32
            %add3A_147 = arith.addi %add3A_78, %add3A_146 : i32
            %add3A_148 = arith.constant 4 : i32
            %add3A_149 = arith.addi %add3A_147, %add3A_148 : i32
            %dma_start3A_150 = arith.constant 0 : i32
            %dma_start3A_151 = tpu.memref_slice %arg5[%add3A_149, %dma_start3A_150] : memref<40x64xi32, #tpu.memory_space<vmem>> -> memref<1x64xi32, #tpu.memory_space<vmem>>
            %dma_start3A_152 = tpu.memref_squeeze %dma_start3A_151 : memref<1x64xi32, #tpu.memory_space<vmem>> -> memref<64xi32, #tpu.memory_space<vmem>>
            %dma_start3A_153 = arith.constant 0 : i32
            %dma_start3A_154 = arith.constant 0 : i32
            %dma_start3A_155 = tpu.memref_slice %arg2[%dma_start3A_153, %dma_start3A_154] : memref<10000x128xf32, #tpu.memory_space<hbm>> -> memref<10000x128xf32, #tpu.memory_space<hbm>>
            tpu.enqueue_indirect_dma source(%dma_start3A_155 : memref<10000x128xf32, #tpu.memory_space<hbm>>) target(%arg8 : memref<64x128xf32, #tpu.memory_space<vmem>>) offsets(%dma_start3A_152 : memref<64xi32, #tpu.memory_space<vmem>>) semaphore(%arg13 : memref<!tpu.dma_semaphore, #tpu.memory_space<semaphore_mem>>)
          } else {
          }
          %dma_wait3A_112 = arith.constant 0 : i32
          %dma_wait3A_113 = arith.constant 0 : i32
          %dma_wait3A_114 = tpu.memref_slice %arg2[%dma_wait3A_112, %dma_wait3A_113] : memref<10000x128xf32, #tpu.memory_space<hbm>> -> memref<64x128xf32, #tpu.memory_space<hbm>>
          %dma_wait3A_115 = arith.constant 0 : i32
          %dma_wait3A_116 = arith.constant 0 : i32
          %dma_wait3A_117 = tpu.memref_slice %arg2[%dma_wait3A_115, %dma_wait3A_116] : memref<10000x128xf32, #tpu.memory_space<hbm>> -> memref<64x128xf32, #tpu.memory_space<hbm>>
          tpu.wait_dma2 semaphore(%arg14 : memref<!tpu.dma_semaphore, #tpu.memory_space<semaphore_mem>>) src(%dma_wait3A_117 : memref<64x128xf32, #tpu.memory_space<hbm>>) dst(%arg9 : memref<64x128xf32, #tpu.memory_space<vmem>>)
          %add3A_118 = arith.constant 2 : i32
          %add3A_119 = arith.addi %add3A_78, %add3A_118 : i32
          "tpu.region"() ({
            %run_scoped3A_146 = tpu.sem_alloc : memref<!tpu.dma_semaphore, #tpu.memory_space<semaphore_mem>>
            %dma_start3A_147 = arith.constant 0 : i32
            %dma_start3A_148 = tpu.memref_slice %arg6[%add3A_119, %dma_start3A_147] : memref<40x64xi32, #tpu.memory_space<vmem>> -> memref<1x64xi32, #tpu.memory_space<vmem>>
            %dma_start3A_149 = tpu.memref_squeeze %dma_start3A_148 : memref<1x64xi32, #tpu.memory_space<vmem>> -> memref<64xi32, #tpu.memory_space<vmem>>
            %dma_start3A_150 = arith.constant 0 : i32
            %dma_start3A_151 = arith.constant 0 : i32
            %dma_start3A_152 = tpu.memref_slice %arg11[%dma_start3A_150, %dma_start3A_151] : memref<10240x128xf32, #tpu.memory_space<vmem_shared>> -> memref<10240x128xf32, #tpu.memory_space<vmem_shared>>
            tpu.enqueue_indirect_dma source(%arg9 : memref<64x128xf32, #tpu.memory_space<vmem>>) target(%dma_start3A_152 : memref<10240x128xf32, #tpu.memory_space<vmem_shared>>) offsets(%dma_start3A_149 : memref<64xi32, #tpu.memory_space<vmem>>) semaphore(%run_scoped3A_146 : memref<!tpu.dma_semaphore, #tpu.memory_space<semaphore_mem>>) {add = true}
            %dma_wait3A_153 = arith.constant 0 : i32
            %dma_wait3A_154 = tpu.memref_slice %arg6[%add3A_119, %dma_wait3A_153] : memref<40x64xi32, #tpu.memory_space<vmem>> -> memref<1x64xi32, #tpu.memory_space<vmem>>
            %dma_wait3A_155 = tpu.memref_squeeze %dma_wait3A_154 : memref<1x64xi32, #tpu.memory_space<vmem>> -> memref<64xi32, #tpu.memory_space<vmem>>
            %dma_wait3A_156 = arith.constant 0 : i32
            %dma_wait3A_157 = arith.constant 0 : i32
            %dma_wait3A_158 = tpu.memref_slice %arg11[%dma_wait3A_156, %dma_wait3A_157] : memref<10240x128xf32, #tpu.memory_space<vmem_shared>> -> memref<10240x128xf32, #tpu.memory_space<vmem_shared>>
            tpu.wait_indirect_dma semaphore(%run_scoped3A_146 : memref<!tpu.dma_semaphore, #tpu.memory_space<semaphore_mem>>) src(%arg9 : memref<64x128xf32, #tpu.memory_space<vmem>>) dst(%dma_wait3A_158 : memref<10240x128xf32, #tpu.memory_space<vmem_shared>>)
            tpu.yield
          }) : () -> ()
          %add3A_120 = arith.constant 2 : i32
          %add3A_121 = arith.addi %add3A_78, %add3A_120 : i32
          %add3A_122 = arith.constant 4 : i32
          %add3A_123 = arith.addi %add3A_121, %add3A_122 : i32
          %lt3A_124 = arith.constant 40 : i32
          %lt3A_125 = arith.cmpi slt, %add3A_123, %lt3A_124 : i32
          %convert_element_type3A_126 = arith.extui %lt3A_125 : i1 to i32
          %cond3A_127 = arith.constant 0 : i32
          %cond3A_128 = arith.cmpi ne, %convert_element_type3A_126, %cond3A_127 : i32
          scf.if %cond3A_128 {
            %add3A_146 = arith.constant 2 : i32
            %add3A_147 = arith.addi %add3A_78, %add3A_146 : i32
            %add3A_148 = arith.constant 4 : i32
            %add3A_149 = arith.addi %add3A_147, %add3A_148 : i32
            %dma_start3A_150 = arith.constant 0 : i32
            %dma_start3A_151 = tpu.memref_slice %arg5[%add3A_149, %dma_start3A_150] : memref<40x64xi32, #tpu.memory_space<vmem>> -> memref<1x64xi32, #tpu.memory_space<vmem>>
            %dma_start3A_152 = tpu.memref_squeeze %dma_start3A_151 : memref<1x64xi32, #tpu.memory_space<vmem>> -> memref<64xi32, #tpu.memory_space<vmem>>
            %dma_start3A_153 = arith.constant 0 : i32
            %dma_start3A_154 = arith.constant 0 : i32
            %dma_start3A_155 = tpu.memref_slice %arg2[%dma_start3A_153, %dma_start3A_154] : memref<10000x128xf32, #tpu.memory_space<hbm>> -> memref<10000x128xf32, #tpu.memory_space<hbm>>
            tpu.enqueue_indirect_dma source(%dma_start3A_155 : memref<10000x128xf32, #tpu.memory_space<hbm>>) target(%arg9 : memref<64x128xf32, #tpu.memory_space<vmem>>) offsets(%dma_start3A_152 : memref<64xi32, #tpu.memory_space<vmem>>) semaphore(%arg14 : memref<!tpu.dma_semaphore, #tpu.memory_space<semaphore_mem>>)
          } else {
          }
          %dma_wait3A_129 = arith.constant 0 : i32
          %dma_wait3A_130 = arith.constant 0 : i32
          %dma_wait3A_131 = tpu.memref_slice %arg2[%dma_wait3A_129, %dma_wait3A_130] : memref<10000x128xf32, #tpu.memory_space<hbm>> -> memref<64x128xf32, #tpu.memory_space<hbm>>
          %dma_wait3A_132 = arith.constant 0 : i32
          %dma_wait3A_133 = arith.constant 0 : i32
          %dma_wait3A_134 = tpu.memref_slice %arg2[%dma_wait3A_132, %dma_wait3A_133] : memref<10000x128xf32, #tpu.memory_space<hbm>> -> memref<64x128xf32, #tpu.memory_space<hbm>>
          tpu.wait_dma2 semaphore(%arg15 : memref<!tpu.dma_semaphore, #tpu.memory_space<semaphore_mem>>) src(%dma_wait3A_134 : memref<64x128xf32, #tpu.memory_space<hbm>>) dst(%arg10 : memref<64x128xf32, #tpu.memory_space<vmem>>)
          %add3A_135 = arith.constant 3 : i32
          %add3A_136 = arith.addi %add3A_78, %add3A_135 : i32
          "tpu.region"() ({
            %run_scoped3A_146 = tpu.sem_alloc : memref<!tpu.dma_semaphore, #tpu.memory_space<semaphore_mem>>
            %dma_start3A_147 = arith.constant 0 : i32
            %dma_start3A_148 = tpu.memref_slice %arg6[%add3A_136, %dma_start3A_147] : memref<40x64xi32, #tpu.memory_space<vmem>> -> memref<1x64xi32, #tpu.memory_space<vmem>>
            %dma_start3A_149 = tpu.memref_squeeze %dma_start3A_148 : memref<1x64xi32, #tpu.memory_space<vmem>> -> memref<64xi32, #tpu.memory_space<vmem>>
            %dma_start3A_150 = arith.constant 0 : i32
            %dma_start3A_151 = arith.constant 0 : i32
            %dma_start3A_152 = tpu.memref_slice %arg11[%dma_start3A_150, %dma_start3A_151] : memref<10240x128xf32, #tpu.memory_space<vmem_shared>> -> memref<10240x128xf32, #tpu.memory_space<vmem_shared>>
            tpu.enqueue_indirect_dma source(%arg10 : memref<64x128xf32, #tpu.memory_space<vmem>>) target(%dma_start3A_152 : memref<10240x128xf32, #tpu.memory_space<vmem_shared>>) offsets(%dma_start3A_149 : memref<64xi32, #tpu.memory_space<vmem>>) semaphore(%run_scoped3A_146 : memref<!tpu.dma_semaphore, #tpu.memory_space<semaphore_mem>>) {add = true}
            %dma_wait3A_153 = arith.constant 0 : i32
            %dma_wait3A_154 = tpu.memref_slice %arg6[%add3A_136, %dma_wait3A_153] : memref<40x64xi32, #tpu.memory_space<vmem>> -> memref<1x64xi32, #tpu.memory_space<vmem>>
            %dma_wait3A_155 = tpu.memref_squeeze %dma_wait3A_154 : memref<1x64xi32, #tpu.memory_space<vmem>> -> memref<64xi32, #tpu.memory_space<vmem>>
            %dma_wait3A_156 = arith.constant 0 : i32
            %dma_wait3A_157 = arith.constant 0 : i32
            %dma_wait3A_158 = tpu.memref_slice %arg11[%dma_wait3A_156, %dma_wait3A_157] : memref<10240x128xf32, #tpu.memory_space<vmem_shared>> -> memref<10240x128xf32, #tpu.memory_space<vmem_shared>>
            tpu.wait_indirect_dma semaphore(%run_scoped3A_146 : memref<!tpu.dma_semaphore, #tpu.memory_space<semaphore_mem>>) src(%arg10 : memref<64x128xf32, #tpu.memory_space<vmem>>) dst(%dma_wait3A_158 : memref<10240x128xf32, #tpu.memory_space<vmem_shared>>)
            tpu.yield
          }) : () -> ()
          %add3A_137 = arith.constant 3 : i32
          %add3A_138 = arith.addi %add3A_78, %add3A_137 : i32
          %add3A_139 = arith.constant 4 : i32
          %add3A_140 = arith.addi %add3A_138, %add3A_139 : i32
          %lt3A_141 = arith.constant 40 : i32
          %lt3A_142 = arith.cmpi slt, %add3A_140, %lt3A_141 : i32
          %convert_element_type3A_143 = arith.extui %lt3A_142 : i1 to i32
          %cond3A_144 = arith.constant 0 : i32
          %cond3A_145 = arith.cmpi ne, %convert_element_type3A_143, %cond3A_144 : i32
          scf.if %cond3A_145 {
            %add3A_146 = arith.constant 3 : i32
            %add3A_147 = arith.addi %add3A_78, %add3A_146 : i32
            %add3A_148 = arith.constant 4 : i32
            %add3A_149 = arith.addi %add3A_147, %add3A_148 : i32
            %dma_start3A_150 = arith.constant 0 : i32
            %dma_start3A_151 = tpu.memref_slice %arg5[%add3A_149, %dma_start3A_150] : memref<40x64xi32, #tpu.memory_space<vmem>> -> memref<1x64xi32, #tpu.memory_space<vmem>>
            %dma_start3A_152 = tpu.memref_squeeze %dma_start3A_151 : memref<1x64xi32, #tpu.memory_space<vmem>> -> memref<64xi32, #tpu.memory_space<vmem>>
            %dma_start3A_153 = arith.constant 0 : i32
            %dma_start3A_154 = arith.constant 0 : i32
            %dma_start3A_155 = tpu.memref_slice %arg2[%dma_start3A_153, %dma_start3A_154] : memref<10000x128xf32, #tpu.memory_space<hbm>> -> memref<10000x128xf32, #tpu.memory_space<hbm>>
            tpu.enqueue_indirect_dma source(%dma_start3A_155 : memref<10000x128xf32, #tpu.memory_space<hbm>>) target(%arg10 : memref<64x128xf32, #tpu.memory_space<vmem>>) offsets(%dma_start3A_152 : memref<64xi32, #tpu.memory_space<vmem>>) semaphore(%arg15 : memref<!tpu.dma_semaphore, #tpu.memory_space<semaphore_mem>>)
          } else {
          }
        }
        %scan3A_73 = arith.constant 10 : i32
      }
      %scan3A_33 = arith.constant 4 : i32
    } else {
    }
    %barrier3A_17 = arith.constant 0 : index
    tpu.barrier barrier_id(%barrier3A_17)
    %lt3A = arith.constant 15 : i32
    %lt3A_18 = arith.cmpi slt, %arg1, %lt3A : i32
    %convert_element_type3A_19 = arith.extui %lt3A_18 : i1 to i32
    %cond3A_20 = arith.constant 0 : i32
    %cond3A_21 = arith.cmpi ne, %convert_element_type3A_19, %cond3A_20 : i32
    scf.if %cond3A_21 {
      %mul3A = arith.constant 624 : i32
      %mul3A_27 = arith.muli %arg1, %mul3A : i32
      %mul3A_28 = arith.constant 624 : i32
      %mul3A_29 = arith.muli %arg1, %mul3A_28 : i32
      "tpu.region"() ({
        %run_scoped3A = tpu.sem_alloc : memref<!tpu.dma_semaphore, #tpu.memory_space<semaphore_mem>>
        %dma_start3A = arith.constant 0 : i32
        %dma_start3A_30 = tpu.memref_slice %arg4[%arg0, %mul3A_29, %dma_start3A] : memref<2x10000x128xf32, #tpu.memory_space<hbm>> -> memref<1x624x128xf32, #tpu.memory_space<hbm>>
        %dma_start3A_31 = tpu.memref_squeeze %dma_start3A_30 : memref<1x624x128xf32, #tpu.memory_space<hbm>> -> memref<624x128xf32, #tpu.memory_space<hbm>>
        %dma_start3A_32 = arith.constant 0 : i32
        %dma_start3A_33 = tpu.memref_slice %arg11[%mul3A_27, %dma_start3A_32] : memref<10240x128xf32, #tpu.memory_space<vmem_shared>> -> memref<624x128xf32, #tpu.memory_space<vmem_shared>>
        tpu.enqueue_dma source(%dma_start3A_33 : memref<624x128xf32, #tpu.memory_space<vmem_shared>>) target(%dma_start3A_31 : memref<624x128xf32, #tpu.memory_space<hbm>>) target_semaphore(%run_scoped3A : memref<!tpu.dma_semaphore, #tpu.memory_space<semaphore_mem>>)
        %dma_wait3A = arith.constant 0 : i32
        %dma_wait3A_34 = tpu.memref_slice %arg4[%arg0, %mul3A_29, %dma_wait3A] : memref<2x10000x128xf32, #tpu.memory_space<hbm>> -> memref<1x624x128xf32, #tpu.memory_space<hbm>>
        %dma_wait3A_35 = tpu.memref_squeeze %dma_wait3A_34 : memref<1x624x128xf32, #tpu.memory_space<hbm>> -> memref<624x128xf32, #tpu.memory_space<hbm>>
        %dma_wait3A_36 = arith.constant 0 : i32
        %dma_wait3A_37 = tpu.memref_slice %arg11[%mul3A_27, %dma_wait3A_36] : memref<10240x128xf32, #tpu.memory_space<vmem_shared>> -> memref<624x128xf32, #tpu.memory_space<vmem_shared>>
        tpu.wait_dma2 semaphore(%run_scoped3A : memref<!tpu.dma_semaphore, #tpu.memory_space<semaphore_mem>>) src(%dma_wait3A_37 : memref<624x128xf32, #tpu.memory_space<vmem_shared>>) dst(%dma_wait3A_35 : memref<624x128xf32, #tpu.memory_space<hbm>>)
        tpu.yield
      }) : () -> ()
    } else {
    }
    %eq3A_22 = arith.constant 15 : i32
    %eq3A_23 = arith.cmpi eq, %arg1, %eq3A_22 : i32
    %convert_element_type3A_24 = arith.extui %eq3A_23 : i1 to i32
    %cond3A_25 = arith.constant 0 : i32
    %cond3A_26 = arith.cmpi ne, %convert_element_type3A_24, %cond3A_25 : i32
    scf.if %cond3A_26 {
      "tpu.region"() ({
        %run_scoped3A = tpu.sem_alloc : memref<!tpu.dma_semaphore, #tpu.memory_space<semaphore_mem>>
        %dma_start3A = arith.constant 9360 : i32
        %dma_start3A_27 = arith.constant 0 : i32
        %dma_start3A_28 = tpu.memref_slice %arg4[%arg0, %dma_start3A, %dma_start3A_27] : memref<2x10000x128xf32, #tpu.memory_space<hbm>> -> memref<1x640x128xf32, #tpu.memory_space<hbm>>
        %dma_start3A_29 = tpu.memref_squeeze %dma_start3A_28 : memref<1x640x128xf32, #tpu.memory_space<hbm>> -> memref<640x128xf32, #tpu.memory_space<hbm>>
        %dma_start3A_30 = arith.constant 9360 : i32
        %dma_start3A_31 = arith.constant 0 : i32
        %dma_start3A_32 = tpu.memref_slice %arg11[%dma_start3A_30, %dma_start3A_31] : memref<10240x128xf32, #tpu.memory_space<vmem_shared>> -> memref<640x128xf32, #tpu.memory_space<vmem_shared>>
        tpu.enqueue_dma source(%dma_start3A_32 : memref<640x128xf32, #tpu.memory_space<vmem_shared>>) target(%dma_start3A_29 : memref<640x128xf32, #tpu.memory_space<hbm>>) target_semaphore(%run_scoped3A : memref<!tpu.dma_semaphore, #tpu.memory_space<semaphore_mem>>)
        %dma_wait3A = arith.constant 9360 : i32
        %dma_wait3A_33 = arith.constant 0 : i32
        %dma_wait3A_34 = tpu.memref_slice %arg4[%arg0, %dma_wait3A, %dma_wait3A_33] : memref<2x10000x128xf32, #tpu.memory_space<hbm>> -> memref<1x640x128xf32, #tpu.memory_space<hbm>>
        %dma_wait3A_35 = tpu.memref_squeeze %dma_wait3A_34 : memref<1x640x128xf32, #tpu.memory_space<hbm>> -> memref<640x128xf32, #tpu.memory_space<hbm>>
        %dma_wait3A_36 = arith.constant 9360 : i32
        %dma_wait3A_37 = arith.constant 0 : i32
        %dma_wait3A_38 = tpu.memref_slice %arg11[%dma_wait3A_36, %dma_wait3A_37] : memref<10240x128xf32, #tpu.memory_space<vmem_shared>> -> memref<640x128xf32, #tpu.memory_space<vmem_shared>>
        tpu.wait_dma2 semaphore(%run_scoped3A : memref<!tpu.dma_semaphore, #tpu.memory_space<semaphore_mem>>) src(%dma_wait3A_38 : memref<640x128xf32, #tpu.memory_space<vmem_shared>>) dst(%dma_wait3A_35 : memref<640x128xf32, #tpu.memory_space<hbm>>)
        tpu.yield
      }) : () -> ()
    } else {
    }
    return
  }
}

#map = affine_map<(d0, d1) -> (0, 0, 0)>
#map1 = affine_map<(d0, d1) -> (0, 0)>
module attributes {stable_mosaic.version = 14 : i64} {
  func.func @k(%arg0: i32, %arg1: i32, %arg2: memref<2x5120x64xi32, #tpu.memory_space<hbm>>, %arg3: memref<32x10240xf32, #tpu.memory_space<hbm>>, %arg4: memref<160x64xi32, #tpu.memory_space<vmem>>, %arg5: memref<10240xf32, #tpu.memory_space<vmem>>) attributes {dimension_semantics = [#tpu.dimension_semantics<core_parallel>, #tpu.dimension_semantics<subcore_parallel>], iteration_bounds = array<i64: 2, 16>, scalar_prefetch = 0 : i64, scratch_operands = 2 : i64, tpu.core_type = #tpu.core_type<sc_vector_subcore>, window_params = [{transform_indices = #map}, {transform_indices = #map1}]} {
    %mul3A = arith.constant 16 : i32
    %mul3A_0 = arith.muli %arg0, %mul3A : i32
    %add3A = arith.addi %mul3A_0, %arg1 : i32
    %broadcast_in_dim3A = arith.constant 0.000000e+00 : f32
    %broadcast_in_dim3A_1 = vector.broadcast %broadcast_in_dim3A : f32 to vector<16xf32>
    %broadcast_in_dim3A_2 = arith.constant 1.000000e+00 : f32
    %broadcast_in_dim3A_3 = vector.broadcast %broadcast_in_dim3A_2 : f32 to vector<16xf32>
    %scan3A = arith.constant 0 : i32
    %scan3A_4 = arith.constant 640 : i32
    %scan3A_5 = arith.addi %scan3A, %scan3A_4 : i32
    %scan3A_6 = arith.constant 1 : i32
    scf.for %scan3A_15 = %scan3A to %scan3A_5 step %scan3A_6  : i32 {
      %mul3A_16 = arith.constant 16 : i32
      %mul3A_17 = arith.muli %scan3A_15, %mul3A_16 : i32
      %add3A_18 = arith.constant 0 : i32
      %add3A_19 = arith.addi %add3A_18, %mul3A_17 : i32
      %swap3A = arith.index_cast %add3A_19 : i32 to index
      %swap3A_20 = tpu.vector_load %arg5[%swap3A] {strides = array<i32>} : memref<10240xf32, #tpu.memory_space<vmem>>, vector<16xf32>,
      tpu.vector_store %arg5[%swap3A], %broadcast_in_dim3A_1 {strides = array<i32>} : memref<10240xf32, #tpu.memory_space<vmem>>, vector<16xf32>,
    }
    %scan3A_7 = arith.constant 640 : i32
    %eq3A = arith.constant 0 : i32
    %eq3A_8 = arith.cmpi eq, %arg0, %eq3A : i32
    %convert_element_type3A = arith.extui %eq3A_8 : i1 to i32
    %cond3A = arith.constant 0 : i32
    %cond3A_9 = arith.cmpi ne, %convert_element_type3A, %cond3A : i32
    scf.if %cond3A_9 {
      %mul3A_15 = arith.constant 160 : i32
      %mul3A_16 = arith.muli %arg1, %mul3A_15 : i32
      %run_scoped3A = arith.constant 1 : i32
      "tpu.region"() ({
        %run_scoped3A_22 = tpu.sem_alloc : memref<!tpu.dma_semaphore, #tpu.memory_space<semaphore_mem>>
        %dma_start3A = arith.constant 0 : i32
        %dma_start3A_23 = arith.constant 0 : i32
        %dma_start3A_24 = tpu.memref_slice %arg4[%dma_start3A, %dma_start3A_23] : memref<160x64xi32, #tpu.memory_space<vmem>> -> memref<160x64xi32, #tpu.memory_space<vmem>>
        %dma_start3A_25 = arith.constant 0 : i32
        %dma_start3A_26 = tpu.memref_slice %arg2[%run_scoped3A, %mul3A_16, %dma_start3A_25] : memref<2x5120x64xi32, #tpu.memory_space<hbm>> -> memref<1x160x64xi32, #tpu.memory_space<hbm>>
        %dma_start3A_27 = tpu.memref_squeeze %dma_start3A_26 : memref<1x160x64xi32, #tpu.memory_space<hbm>> -> memref<160x64xi32, #tpu.memory_space<hbm>>
        %dma_start3A_28 = arith.constant 0 : i32
        %dma_start3A_29 = arith.constant 0 : i32
        %dma_start3A_30 = tpu.memref_slice %arg4[%dma_start3A_28, %dma_start3A_29] : memref<160x64xi32, #tpu.memory_space<vmem>> -> memref<160x64xi32, #tpu.memory_space<vmem>>
        %dma_start3A_31 = arith.constant 0 : i32
        %dma_start3A_32 = tpu.memref_slice %arg2[%run_scoped3A, %mul3A_16, %dma_start3A_31] : memref<2x5120x64xi32, #tpu.memory_space<hbm>> -> memref<1x160x64xi32, #tpu.memory_space<hbm>>
        %dma_start3A_33 = tpu.memref_squeeze %dma_start3A_32 : memref<1x160x64xi32, #tpu.memory_space<hbm>> -> memref<160x64xi32, #tpu.memory_space<hbm>>
        tpu.enqueue_dma source(%dma_start3A_33 : memref<160x64xi32, #tpu.memory_space<hbm>>) target(%dma_start3A_30 : memref<160x64xi32, #tpu.memory_space<vmem>>) target_semaphore(%run_scoped3A_22 : memref<!tpu.dma_semaphore, #tpu.memory_space<semaphore_mem>>)
        %dma_wait3A = arith.constant 0 : i32
        %dma_wait3A_34 = arith.constant 0 : i32
        %dma_wait3A_35 = tpu.memref_slice %arg4[%dma_wait3A, %dma_wait3A_34] : memref<160x64xi32, #tpu.memory_space<vmem>> -> memref<160x64xi32, #tpu.memory_space<vmem>>
        %dma_wait3A_36 = arith.constant 0 : i32
        %dma_wait3A_37 = tpu.memref_slice %arg2[%run_scoped3A, %mul3A_16, %dma_wait3A_36] : memref<2x5120x64xi32, #tpu.memory_space<hbm>> -> memref<1x160x64xi32, #tpu.memory_space<hbm>>
        %dma_wait3A_38 = tpu.memref_squeeze %dma_wait3A_37 : memref<1x160x64xi32, #tpu.memory_space<hbm>> -> memref<160x64xi32, #tpu.memory_space<hbm>>
        %dma_wait3A_39 = arith.constant 0 : i32
        %dma_wait3A_40 = arith.constant 0 : i32
        %dma_wait3A_41 = tpu.memref_slice %arg4[%dma_wait3A_39, %dma_wait3A_40] : memref<160x64xi32, #tpu.memory_space<vmem>> -> memref<160x64xi32, #tpu.memory_space<vmem>>
        %dma_wait3A_42 = arith.constant 0 : i32
        %dma_wait3A_43 = tpu.memref_slice %arg2[%run_scoped3A, %mul3A_16, %dma_wait3A_42] : memref<2x5120x64xi32, #tpu.memory_space<hbm>> -> memref<1x160x64xi32, #tpu.memory_space<hbm>>
        %dma_wait3A_44 = tpu.memref_squeeze %dma_wait3A_43 : memref<1x160x64xi32, #tpu.memory_space<hbm>> -> memref<160x64xi32, #tpu.memory_space<hbm>>
        tpu.wait_dma2 semaphore(%run_scoped3A_22 : memref<!tpu.dma_semaphore, #tpu.memory_space<semaphore_mem>>) src(%dma_wait3A_44 : memref<160x64xi32, #tpu.memory_space<hbm>>) dst(%dma_wait3A_41 : memref<160x64xi32, #tpu.memory_space<vmem>>)
        tpu.yield
      }) : () -> ()
      %scan3A_17 = arith.constant 0 : i32
      %scan3A_18 = arith.constant 160 : i32
      %scan3A_19 = arith.addi %scan3A_17, %scan3A_18 : i32
      %scan3A_20 = arith.constant 1 : i32
      scf.for %scan3A_22 = %scan3A_17 to %scan3A_19 step %scan3A_20  : i32 {
        %mul3A_23 = arith.constant 1 : i32
        %mul3A_24 = arith.muli %scan3A_22, %mul3A_23 : i32
        %add3A_25 = arith.constant 0 : i32
        %add3A_26 = arith.addi %add3A_25, %mul3A_24 : i32
        %get3A = arith.index_cast %add3A_26 : i32 to index
        %get3A_27 = arith.constant 0 : index
        %get3A_28 = tpu.vector_load %arg4[%get3A, %get3A_27] {strides = array<i32>} : memref<160x64xi32, #tpu.memory_space<vmem>>, vector<16xi32>,
        tpu.vector_store_idx %arg5[%get3A_28], %broadcast_in_dim3A_3 {add = true} : memref<10240xf32, #tpu.memory_space<vmem>>[vector<16xi32>], vector<16xf32>,
        %get3A_29 = arith.index_cast %add3A_26 : i32 to index
        %get3A_30 = arith.constant 16 : index
        %get3A_31 = tpu.vector_load %arg4[%get3A_29, %get3A_30] {strides = array<i32>} : memref<160x64xi32, #tpu.memory_space<vmem>>, vector<16xi32>,
        tpu.vector_store_idx %arg5[%get3A_31], %broadcast_in_dim3A_3 {add = true} : memref<10240xf32, #tpu.memory_space<vmem>>[vector<16xi32>], vector<16xf32>,
        %get3A_32 = arith.index_cast %add3A_26 : i32 to index
        %get3A_33 = arith.constant 32 : index
        %get3A_34 = tpu.vector_load %arg4[%get3A_32, %get3A_33] {strides = array<i32>} : memref<160x64xi32, #tpu.memory_space<vmem>>, vector<16xi32>,
        tpu.vector_store_idx %arg5[%get3A_34], %broadcast_in_dim3A_3 {add = true} : memref<10240xf32, #tpu.memory_space<vmem>>[vector<16xi32>], vector<16xf32>,
        %get3A_35 = arith.index_cast %add3A_26 : i32 to index
        %get3A_36 = arith.constant 48 : index
        %get3A_37 = tpu.vector_load %arg4[%get3A_35, %get3A_36] {strides = array<i32>} : memref<160x64xi32, #tpu.memory_space<vmem>>, vector<16xi32>,
        tpu.vector_store_idx %arg5[%get3A_37], %broadcast_in_dim3A_3 {add = true} : memref<10240xf32, #tpu.memory_space<vmem>>[vector<16xi32>], vector<16xf32>,
      }
      %scan3A_21 = arith.constant 160 : i32
    } else {
    }
    %eq3A_10 = arith.constant 1 : i32
    %eq3A_11 = arith.cmpi eq, %arg0, %eq3A_10 : i32
    %convert_element_type3A_12 = arith.extui %eq3A_11 : i1 to i32
    %cond3A_13 = arith.constant 0 : i32
    %cond3A_14 = arith.cmpi ne, %convert_element_type3A_12, %cond3A_13 : i32
    scf.if %cond3A_14 {
      %mul3A_15 = arith.constant 160 : i32
      %mul3A_16 = arith.muli %arg1, %mul3A_15 : i32
      %add3A_17 = arith.constant 2560 : i32
      %add3A_18 = arith.addi %add3A_17, %mul3A_16 : i32
      %run_scoped3A = arith.constant 1 : i32
      "tpu.region"() ({
        %run_scoped3A_24 = tpu.sem_alloc : memref<!tpu.dma_semaphore, #tpu.memory_space<semaphore_mem>>
        %dma_start3A = arith.constant 0 : i32
        %dma_start3A_25 = arith.constant 0 : i32
        %dma_start3A_26 = tpu.memref_slice %arg4[%dma_start3A, %dma_start3A_25] : memref<160x64xi32, #tpu.memory_space<vmem>> -> memref<160x64xi32, #tpu.memory_space<vmem>>
        %dma_start3A_27 = arith.constant 0 : i32
        %dma_start3A_28 = tpu.memref_slice %arg2[%run_scoped3A, %add3A_18, %dma_start3A_27] : memref<2x5120x64xi32, #tpu.memory_space<hbm>> -> memref<1x160x64xi32, #tpu.memory_space<hbm>>
        %dma_start3A_29 = tpu.memref_squeeze %dma_start3A_28 : memref<1x160x64xi32, #tpu.memory_space<hbm>> -> memref<160x64xi32, #tpu.memory_space<hbm>>
        %dma_start3A_30 = arith.constant 0 : i32
        %dma_start3A_31 = arith.constant 0 : i32
        %dma_start3A_32 = tpu.memref_slice %arg4[%dma_start3A_30, %dma_start3A_31] : memref<160x64xi32, #tpu.memory_space<vmem>> -> memref<160x64xi32, #tpu.memory_space<vmem>>
        %dma_start3A_33 = arith.constant 0 : i32
        %dma_start3A_34 = tpu.memref_slice %arg2[%run_scoped3A, %add3A_18, %dma_start3A_33] : memref<2x5120x64xi32, #tpu.memory_space<hbm>> -> memref<1x160x64xi32, #tpu.memory_space<hbm>>
        %dma_start3A_35 = tpu.memref_squeeze %dma_start3A_34 : memref<1x160x64xi32, #tpu.memory_space<hbm>> -> memref<160x64xi32, #tpu.memory_space<hbm>>
        tpu.enqueue_dma source(%dma_start3A_35 : memref<160x64xi32, #tpu.memory_space<hbm>>) target(%dma_start3A_32 : memref<160x64xi32, #tpu.memory_space<vmem>>) target_semaphore(%run_scoped3A_24 : memref<!tpu.dma_semaphore, #tpu.memory_space<semaphore_mem>>)
        %dma_wait3A = arith.constant 0 : i32
        %dma_wait3A_36 = arith.constant 0 : i32
        %dma_wait3A_37 = tpu.memref_slice %arg4[%dma_wait3A, %dma_wait3A_36] : memref<160x64xi32, #tpu.memory_space<vmem>> -> memref<160x64xi32, #tpu.memory_space<vmem>>
        %dma_wait3A_38 = arith.constant 0 : i32
        %dma_wait3A_39 = tpu.memref_slice %arg2[%run_scoped3A, %add3A_18, %dma_wait3A_38] : memref<2x5120x64xi32, #tpu.memory_space<hbm>> -> memref<1x160x64xi32, #tpu.memory_space<hbm>>
        %dma_wait3A_40 = tpu.memref_squeeze %dma_wait3A_39 : memref<1x160x64xi32, #tpu.memory_space<hbm>> -> memref<160x64xi32, #tpu.memory_space<hbm>>
        %dma_wait3A_41 = arith.constant 0 : i32
        %dma_wait3A_42 = arith.constant 0 : i32
        %dma_wait3A_43 = tpu.memref_slice %arg4[%dma_wait3A_41, %dma_wait3A_42] : memref<160x64xi32, #tpu.memory_space<vmem>> -> memref<160x64xi32, #tpu.memory_space<vmem>>
        %dma_wait3A_44 = arith.constant 0 : i32
        %dma_wait3A_45 = tpu.memref_slice %arg2[%run_scoped3A, %add3A_18, %dma_wait3A_44] : memref<2x5120x64xi32, #tpu.memory_space<hbm>> -> memref<1x160x64xi32, #tpu.memory_space<hbm>>
        %dma_wait3A_46 = tpu.memref_squeeze %dma_wait3A_45 : memref<1x160x64xi32, #tpu.memory_space<hbm>> -> memref<160x64xi32, #tpu.memory_space<hbm>>
        tpu.wait_dma2 semaphore(%run_scoped3A_24 : memref<!tpu.dma_semaphore, #tpu.memory_space<semaphore_mem>>) src(%dma_wait3A_46 : memref<160x64xi32, #tpu.memory_space<hbm>>) dst(%dma_wait3A_43 : memref<160x64xi32, #tpu.memory_space<vmem>>)
        tpu.yield
      }) : () -> ()
      %scan3A_19 = arith.constant 0 : i32
      %scan3A_20 = arith.constant 160 : i32
      %scan3A_21 = arith.addi %scan3A_19, %scan3A_20 : i32
      %scan3A_22 = arith.constant 1 : i32
      scf.for %scan3A_24 = %scan3A_19 to %scan3A_21 step %scan3A_22  : i32 {
        %mul3A_25 = arith.constant 1 : i32
        %mul3A_26 = arith.muli %scan3A_24, %mul3A_25 : i32
        %add3A_27 = arith.constant 0 : i32
        %add3A_28 = arith.addi %add3A_27, %mul3A_26 : i32
        %get3A = arith.index_cast %add3A_28 : i32 to index
        %get3A_29 = arith.constant 0 : index
        %get3A_30 = tpu.vector_load %arg4[%get3A, %get3A_29] {strides = array<i32>} : memref<160x64xi32, #tpu.memory_space<vmem>>, vector<16xi32>,
        tpu.vector_store_idx %arg5[%get3A_30], %broadcast_in_dim3A_3 {add = true} : memref<10240xf32, #tpu.memory_space<vmem>>[vector<16xi32>], vector<16xf32>,
        %get3A_31 = arith.index_cast %add3A_28 : i32 to index
        %get3A_32 = arith.constant 16 : index
        %get3A_33 = tpu.vector_load %arg4[%get3A_31, %get3A_32] {strides = array<i32>} : memref<160x64xi32, #tpu.memory_space<vmem>>, vector<16xi32>,
        tpu.vector_store_idx %arg5[%get3A_33], %broadcast_in_dim3A_3 {add = true} : memref<10240xf32, #tpu.memory_space<vmem>>[vector<16xi32>], vector<16xf32>,
        %get3A_34 = arith.index_cast %add3A_28 : i32 to index
        %get3A_35 = arith.constant 32 : index
        %get3A_36 = tpu.vector_load %arg4[%get3A_34, %get3A_35] {strides = array<i32>} : memref<160x64xi32, #tpu.memory_space<vmem>>, vector<16xi32>,
        tpu.vector_store_idx %arg5[%get3A_36], %broadcast_in_dim3A_3 {add = true} : memref<10240xf32, #tpu.memory_space<vmem>>[vector<16xi32>], vector<16xf32>,
        %get3A_37 = arith.index_cast %add3A_28 : i32 to index
        %get3A_38 = arith.constant 48 : index
        %get3A_39 = tpu.vector_load %arg4[%get3A_37, %get3A_38] {strides = array<i32>} : memref<160x64xi32, #tpu.memory_space<vmem>>, vector<16xi32>,
        tpu.vector_store_idx %arg5[%get3A_39], %broadcast_in_dim3A_3 {add = true} : memref<10240xf32, #tpu.memory_space<vmem>>[vector<16xi32>], vector<16xf32>,
      }
      %scan3A_23 = arith.constant 160 : i32
    } else {
    }
    "tpu.region"() ({
      %run_scoped3A = tpu.sem_alloc : memref<!tpu.dma_semaphore, #tpu.memory_space<semaphore_mem>>
      %dma_start3A = arith.constant 0 : i32
      %dma_start3A_15 = tpu.memref_slice %arg3[%add3A, %dma_start3A] : memref<32x10240xf32, #tpu.memory_space<hbm>> -> memref<1x10240xf32, #tpu.memory_space<hbm>>
      %dma_start3A_16 = tpu.memref_squeeze %dma_start3A_15 : memref<1x10240xf32, #tpu.memory_space<hbm>> -> memref<10240xf32, #tpu.memory_space<hbm>>
      %dma_start3A_17 = arith.constant 0 : i32
      %dma_start3A_18 = tpu.memref_slice %arg3[%add3A, %dma_start3A_17] : memref<32x10240xf32, #tpu.memory_space<hbm>> -> memref<1x10240xf32, #tpu.memory_space<hbm>>
      %dma_start3A_19 = tpu.memref_squeeze %dma_start3A_18 : memref<1x10240xf32, #tpu.memory_space<hbm>> -> memref<10240xf32, #tpu.memory_space<hbm>>
      tpu.enqueue_dma source(%arg5 : memref<10240xf32, #tpu.memory_space<vmem>>) target(%dma_start3A_19 : memref<10240xf32, #tpu.memory_space<hbm>>) target_semaphore(%run_scoped3A : memref<!tpu.dma_semaphore, #tpu.memory_space<semaphore_mem>>)
      %dma_wait3A = arith.constant 0 : i32
      %dma_wait3A_20 = tpu.memref_slice %arg3[%add3A, %dma_wait3A] : memref<32x10240xf32, #tpu.memory_space<hbm>> -> memref<1x10240xf32, #tpu.memory_space<hbm>>
      %dma_wait3A_21 = tpu.memref_squeeze %dma_wait3A_20 : memref<1x10240xf32, #tpu.memory_space<hbm>> -> memref<10240xf32, #tpu.memory_space<hbm>>
      %dma_wait3A_22 = arith.constant 0 : i32
      %dma_wait3A_23 = tpu.memref_slice %arg3[%add3A, %dma_wait3A_22] : memref<32x10240xf32, #tpu.memory_space<hbm>> -> memref<1x10240xf32, #tpu.memory_space<hbm>>
      %dma_wait3A_24 = tpu.memref_squeeze %dma_wait3A_23 : memref<1x10240xf32, #tpu.memory_space<hbm>> -> memref<10240xf32, #tpu.memory_space<hbm>>
      tpu.wait_dma2 semaphore(%run_scoped3A : memref<!tpu.dma_semaphore, #tpu.memory_space<semaphore_mem>>) src(%arg5 : memref<10240xf32, #tpu.memory_space<vmem>>) dst(%dma_wait3A_24 : memref<10240xf32, #tpu.memory_space<hbm>>)
      tpu.yield
    }) : () -> ()
    return
  }
}

module attributes {stable_mosaic.version = 14 : i64} {
  func.func @body(%arg0: i32, %arg1: memref<2000x128xf32, #tpu.memory_space<vmem>>, %arg2: memref<128x128xf32, #tpu.memory_space<vmem>>, %arg3: memref<2000x128xf32, #tpu.memory_space<vmem>>) attributes {dimension_semantics = [#tpu.dimension_semantics<arbitrary>], iteration_bounds = array<i64: 5>, scalar_prefetch = 0 : i64, scratch_operands = 0 : i64, tpu.core_type = #tpu.core_type<tc>, window_params = [{transform_indices = @transform_0, window_bounds = array<i64: 2000, 128>}, {pipeline_mode = #tpu.pipeline_mode<synchronous>, transform_indices = @transform_1, window_bounds = array<i64: 128, 128>}, {transform_indices = @transform_2, window_bounds = array<i64: 2000, 128>}]} {
    %get3A = arith.constant 0 : index
    %get3A_0 = arith.constant 0 : index
    %get3A_1 = vector.load %arg1[%get3A, %get3A_0] : memref<2000x128xf32, #tpu.memory_space<vmem>>, vector<2000x128xf32>
    %get3A_2 = arith.constant 0 : index
    %get3A_3 = arith.constant 0 : index
    %get3A_4 = vector.load %arg2[%get3A_2, %get3A_3] : memref<128x128xf32, #tpu.memory_space<vmem>>, vector<128x128xf32>
    %dot_general3A = arith.constant dense<0.000000e+00> : vector<2000x128xf32>
    %dot_general3A_5 = tpu.matmul %get3A_1, %get3A_4, %dot_general3A {dimension_numbers = #tpu.dot_dimension_numbers<[1], [1], [0], [0], [0, 0, 1, 0], [], []>, precision = #tpu.contract_precision<fp32>, transpose_lhs_hint = false} : vector<2000x128xf32>, vector<128x128xf32>, vector<2000x128xf32> -> vector<2000x128xf32>
    %swap3A = arith.constant 0 : index
    %swap3A_6 = arith.constant 0 : index
    %swap3A_7 = vector.load %arg3[%swap3A, %swap3A_6] : memref<2000x128xf32, #tpu.memory_space<vmem>>, vector<2000x128xf32>
    tpu.vector_store %arg3[%swap3A, %swap3A_6], %dot_general3A_5 {strides = array<i32>} : memref<2000x128xf32, #tpu.memory_space<vmem>>, vector<2000x128xf32>,
    return
  }
  func.func @transform_0(%arg0: i32) -> (i32, i32) {
    %c0_i32 = arith.constant 0 : i32
    %c0_i32_0 = arith.constant 0 : i32
    return %arg0, %c0_i32 : i32, i32
  }
  func.func @transform_1(%arg0: i32) -> (i32, i32) {
    %c0_i32 = arith.constant 0 : i32
    %c0_i32_0 = arith.constant 0 : i32
    %c0_i32_1 = arith.constant 0 : i32
    return %c0_i32, %c0_i32_0 : i32, i32
  }
  func.func @transform_2(%arg0: i32) -> (i32, i32) {
    %c0_i32 = arith.constant 0 : i32
    %c0_i32_0 = arith.constant 0 : i32
    return %arg0, %c0_i32 : i32, i32
  }
}

module attributes {stable_mosaic.version = 14 : i64} {
  func.func @body(%arg0: memref<32x10240xf32, #tpu.memory_space<vmem>>, %arg1: memref<10240x1xf32, #tpu.memory_space<vmem>>) attributes {dimension_semantics = [], scalar_prefetch = 0 : i64, scratch_operands = 0 : i64, tpu.core_type = #tpu.core_type<tc>} {
    %broadcast_in_dim3A = arith.constant 1.000000e+00 : f32
    %broadcast_in_dim3A_0 = vector.broadcast %broadcast_in_dim3A : f32 to vector<32x1xf32>
    %get3A = arith.constant 0 : index
    %get3A_1 = arith.constant 0 : index
    %get3A_2 = vector.load %arg0[%get3A, %get3A_1] : memref<32x10240xf32, #tpu.memory_space<vmem>>, vector<32x10240xf32>
    %dot_general3A = arith.constant dense<0.000000e+00> : vector<10240x1xf32>
    %dot_general3A_3 = tpu.matmul %get3A_2, %broadcast_in_dim3A_0, %dot_general3A {dimension_numbers = #tpu.dot_dimension_numbers<[0], [0], [1], [1], [0, 1, 1, 1], [], []>, precision = #tpu.contract_precision<fp32>, transpose_lhs_hint = false} : vector<32x10240xf32>, vector<32x1xf32>, vector<10240x1xf32> -> vector<10240x1xf32>
    %add3A = arith.constant 1.000000e+00 : f32
    %add3A_4 = vector.broadcast %add3A : f32 to vector<10240x1xf32>
    %add3A_5 = arith.addf %dot_general3A_3, %add3A_4 : vector<10240x1xf32>
    %rsqrt3A = math.rsqrt %add3A_5 : vector<10240x1xf32>
    %swap3A = arith.constant 0 : index
    %swap3A_6 = arith.constant 0 : index
    %swap3A_7 = vector.load %arg1[%swap3A, %swap3A_6] : memref<10240x1xf32, #tpu.memory_space<vmem>>, vector<10240x1xf32>
    tpu.vector_store %arg1[%swap3A, %swap3A_6], %rsqrt3A {strides = array<i32>} : memref<10240x1xf32, #tpu.memory_space<vmem>>, vector<10240x1xf32>,
    return
  }
}

module attributes {stable_mosaic.version = 14 : i64} {
  func.func @body(%arg0: i32, %arg1: memref<2000x1xf32, #tpu.memory_space<vmem>>, %arg2: memref<2000x128xf32, #tpu.memory_space<vmem>>, %arg3: memref<2000x128xf32, #tpu.memory_space<vmem>>) attributes {dimension_semantics = [#tpu.dimension_semantics<arbitrary>], iteration_bounds = array<i64: 5>, scalar_prefetch = 0 : i64, scratch_operands = 0 : i64, tpu.core_type = #tpu.core_type<tc>, window_params = [{transform_indices = @transform_0, window_bounds = array<i64: 2000, 1>}, {transform_indices = @transform_1, window_bounds = array<i64: 2000, 128>}, {transform_indices = @transform_2, window_bounds = array<i64: 2000, 128>}]} {
    %get3A = arith.constant 0 : index
    %get3A_0 = arith.constant 0 : index
    %get3A_1 = vector.load %arg2[%get3A, %get3A_0] : memref<2000x128xf32, #tpu.memory_space<vmem>>, vector<2000x128xf32>
    %get3A_2 = arith.constant 0 : index
    %get3A_3 = arith.constant 0 : index
    %get3A_4 = vector.load %arg1[%get3A_2, %get3A_3] : memref<2000x1xf32, #tpu.memory_space<vmem>>, vector<2000x1xf32>
    %mul3A = vector.broadcast %get3A_4 : vector<2000x1xf32> to vector<2000x128xf32>
    %mul3A_5 = arith.mulf %get3A_1, %mul3A : vector<2000x128xf32>
    %swap3A = arith.constant 0 : index
    %swap3A_6 = arith.constant 0 : index
    %swap3A_7 = vector.load %arg3[%swap3A, %swap3A_6] : memref<2000x128xf32, #tpu.memory_space<vmem>>, vector<2000x128xf32>
    tpu.vector_store %arg3[%swap3A, %swap3A_6], %mul3A_5 {strides = array<i32>} : memref<2000x128xf32, #tpu.memory_space<vmem>>, vector<2000x128xf32>,
    return
  }
  func.func @transform_0(%arg0: i32) -> (i32, i32) {
    %c0_i32 = arith.constant 0 : i32
    %c0_i32_0 = arith.constant 0 : i32
    return %arg0, %c0_i32 : i32, i32
  }
  func.func @transform_1(%arg0: i32) -> (i32, i32) {
    %c0_i32 = arith.constant 0 : i32
    %c0_i32_0 = arith.constant 0 : i32
    return %arg0, %c0_i32 : i32, i32
  }
  func.func @transform_2(%arg0: i32) -> (i32, i32) {
    %c0_i32 = arith.constant 0 : i32
    %c0_i32_0 = arith.constant 0 : i32
    return %arg0, %c0_i32 : i32, i32
  }
}

module attributes {stable_mosaic.version = 14 : i64} {
  func.func @body(%arg0: i32, %arg1: memref<2000x1xf32, #tpu.memory_space<vmem>>, %arg2: memref<2000x128xf32, #tpu.memory_space<vmem>>, %arg3: memref<2x2000x128xf32, #tpu.memory_space<vmem>>, %arg4: memref<1x128xf32, #tpu.memory_space<vmem>>, %arg5: memref<2000x128xf32, #tpu.memory_space<vmem>>) attributes {dimension_semantics = [#tpu.dimension_semantics<arbitrary>], iteration_bounds = array<i64: 5>, scalar_prefetch = 0 : i64, scratch_operands = 0 : i64, tpu.core_type = #tpu.core_type<tc>, window_params = [{transform_indices = @transform_0, window_bounds = array<i64: 2000, 1>}, {transform_indices = @transform_1, window_bounds = array<i64: 2000, 128>}, {transform_indices = @transform_2, window_bounds = array<i64: 2, 2000, 128>}, {pipeline_mode = #tpu.pipeline_mode<synchronous>, transform_indices = @transform_3, window_bounds = array<i64: 1, 128>}, {transform_indices = @transform_4, window_bounds = array<i64: 2000, 128>}]} {
    %get3A = arith.constant 0 : index
    %get3A_0 = arith.constant 0 : index
    %get3A_1 = arith.constant 0 : index
    %get3A_2 = vector.load %arg3[%get3A, %get3A_0, %get3A_1] : memref<2x2000x128xf32, #tpu.memory_space<vmem>>, vector<1x2000x128xf32>
    %get3A_3 = vector.shape_cast %get3A_2 : vector<1x2000x128xf32> to vector<2000x128xf32>
    %get3A_4 = arith.constant 1 : index
    %get3A_5 = arith.constant 0 : index
    %get3A_6 = arith.constant 0 : index
    %get3A_7 = vector.load %arg3[%get3A_4, %get3A_5, %get3A_6] : memref<2x2000x128xf32, #tpu.memory_space<vmem>>, vector<1x2000x128xf32>
    %get3A_8 = vector.shape_cast %get3A_7 : vector<1x2000x128xf32> to vector<2000x128xf32>
    %add3A = arith.addf %get3A_3, %get3A_8 : vector<2000x128xf32>
    %get3A_9 = arith.constant 0 : index
    %get3A_10 = arith.constant 0 : index
    %get3A_11 = vector.load %arg2[%get3A_9, %get3A_10] : memref<2000x128xf32, #tpu.memory_space<vmem>>, vector<2000x128xf32>
    %add3A_12 = arith.addf %add3A, %get3A_11 : vector<2000x128xf32>
    %get3A_13 = arith.constant 0 : index
    %get3A_14 = arith.constant 0 : index
    %get3A_15 = vector.load %arg1[%get3A_13, %get3A_14] : memref<2000x1xf32, #tpu.memory_space<vmem>>, vector<2000x1xf32>
    %mul3A = vector.broadcast %get3A_15 : vector<2000x1xf32> to vector<2000x128xf32>
    %mul3A_16 = arith.mulf %add3A_12, %mul3A : vector<2000x128xf32>
    %get3A_17 = arith.constant 0 : index
    %get3A_18 = arith.constant 0 : index
    %get3A_19 = vector.load %arg4[%get3A_17, %get3A_18] : memref<1x128xf32, #tpu.memory_space<vmem>>, vector<1x128xf32>
    %add3A_20 = vector.broadcast %get3A_19 : vector<1x128xf32> to vector<2000x128xf32>
    %add3A_21 = arith.addf %mul3A_16, %add3A_20 : vector<2000x128xf32>
    %ge3A = arith.constant 0.000000e+00 : f32
    %ge3A_22 = vector.broadcast %ge3A : f32 to vector<2000x128xf32>
    %ge3A_23 = arith.cmpf oge, %add3A_21, %ge3A_22 : vector<2000x128xf32>
    %mul3A_24 = arith.constant 1.000000e-01 : f32
    %mul3A_25 = vector.broadcast %mul3A_24 : f32 to vector<2000x128xf32>
    %mul3A_26 = arith.mulf %mul3A_25, %add3A_21 : vector<2000x128xf32>
    %select_n3A = arith.select %ge3A_23, %add3A_21, %mul3A_26 : vector<2000x128xi1>, vector<2000x128xf32>
    %swap3A = arith.constant 0 : index
    %swap3A_27 = arith.constant 0 : index
    %swap3A_28 = vector.load %arg5[%swap3A, %swap3A_27] : memref<2000x128xf32, #tpu.memory_space<vmem>>, vector<2000x128xf32>
    tpu.vector_store %arg5[%swap3A, %swap3A_27], %select_n3A {strides = array<i32>} : memref<2000x128xf32, #tpu.memory_space<vmem>>, vector<2000x128xf32>,
    return
  }
  func.func @transform_0(%arg0: i32) -> (i32, i32) {
    %c0_i32 = arith.constant 0 : i32
    %c0_i32_0 = arith.constant 0 : i32
    return %arg0, %c0_i32 : i32, i32
  }
  func.func @transform_1(%arg0: i32) -> (i32, i32) {
    %c0_i32 = arith.constant 0 : i32
    %c0_i32_0 = arith.constant 0 : i32
    return %arg0, %c0_i32 : i32, i32
  }
  func.func @transform_2(%arg0: i32) -> (i32, i32, i32) {
    %c0_i32 = arith.constant 0 : i32
    %c0_i32_0 = arith.constant 0 : i32
    %c0_i32_1 = arith.constant 0 : i32
    return %c0_i32, %arg0, %c0_i32_0 : i32, i32, i32
  }
  func.func @transform_3(%arg0: i32) -> (i32, i32) {
    %c0_i32 = arith.constant 0 : i32
    %c0_i32_0 = arith.constant 0 : i32
    %c0_i32_1 = arith.constant 0 : i32
    return %c0_i32, %c0_i32_0 : i32, i32
  }
  func.func @transform_4(%arg0: i32) -> (i32, i32) {
    %c0_i32 = arith.constant 0 : i32
    %c0_i32_0 = arith.constant 0 : i32
    return %arg0, %c0_i32 : i32, i32
  }
}

</mosaic_0001>

<sc_bundles>
// kernel: kernel.11.cloned.1.call-start
scs
__scs_entry_jumppad:
0x0: {  	(pc) =	sbr.rel $0x88, $3  }
0x1: {  	(tag) =	ssettag $0x0;
	lr =	simm.s32 $0x1  }
0x2: {  	[smem:$0x3F9D] =	sst lr;
	_ =	strace $0xD0000000  }
0x3: {  	_ = 	snop  }
0x4: {  	_ = 	snop  }
0x5: {  	_ = 	snop  }
0x6: {  	_ = 	snop  }
0x7: {  	_ = 	snop  }
__scs_overlays_trampoline_lowered:
0x8: {  	[smem:$0x3FAC] =	sst s0  }
0x9: {  	[smem:$0x3FAD] =	sst s1  }
0xa: {  	[smem:$0x3FAE] =	sst s2  }
0xb: {  	[smem:$0x3FAF] =	sst s3  }
0xc: {  	[smem:$0x3FB0] =	sst s4  }
0xd: {  	[smem:$0x3FB1] =	sst s5  }
0xe: {  	[smem:$0x3FB2] =	sst s6  }
0xf: {  	[smem:$0x3FB3] =	sst s7  }
0x10: {  	[smem:$0x3FB4] =	sst s8  }
0x11: {  	[smem:$0x3FB5] =	sst s9;
	s0 =	simm.s32 @!p0 $0x0  }
0x12: {  	s1 =	sld [smem:$0x3F9B];
	s0 =	simm.s32 @p0 $0x1  }
0x13: {  	[smem:$0x3FB6] =	sst s0;
	s0 =	simm.s32 @!p1 $0x0  }
0x14: {  	s2 =	sld [smem:$0x3F9A];
	s0 =	simm.s32 @p1 $0x1  }
0x15: {  	[smem:$0x3FB7] =	sst s0;
	s0 =	simm.s32 @!p2 $0x0  }
0x16: {  	s3 =	sld [smem:$0x3FDB];
	s0 =	simm.s32 @p2 $0x1  }
0x17: {  	s4 =	simm.s32 $0x1BF5;
	[smem:$0x3FB9] =	sst s0  }
0x18: {  	s0 =	sld [smem:$0x3F9C];
	_ =	swait.ge [sflag:s4], $0x0  }
0x19: {  	s7 =	sld [smem:$0x3F9D]  }
0x1a: {  	s8 =	sadd.s32 $0xFFFFE003, lr  }
0x1b: {  	s9 =	sadd.s32 $0xFFFFFEF7, lr;
	s5 =	simm.s32 $0xFFFFFFFF;
	p2 =	slt.u32 s8, $0xFFFFF086  }
0x1c: {  	p1 =	slt.u32 s9, $0xF7A;
	s5 =	simm.s32 @!p2 $0x0  }
0x1d: {  	s5 =	simm.s32 @p1 $0x1;
	p0 =	seq.s32 s7, s2  }
0x1e: {  	s7 =	smul.u32 @!p0 $0xF7A, s2;
	p2 =	seq.s32 @!p0 s5, $0x0  }
0x1f: {  	s9 =	smul.u32 $0xF7A, s1;
	s8 =	simm.s32 @!p0 $0x1BF5;
	p2 =	por !p2, p0  }
0x20: {  	[sflag:s8] =	ssyncset.s32 @!p0 $0xFFFFF086;
	s6 =	sadd.s32 @!p0 s3, s7;
	s7 =	simm.s32 @!p0 $0x108  }
0x21: {  	s3 =	sadd.s32 s3, s9;
	s6 =	sadd.s32 @!p0 $0x88, s6;
	s7 =	simm.s32 @p2 $0x1082  }
0x22: {  	[simem:s7], [sflag:s8] =	dma.local @!p0 [hbm:s6], $0xF7A  }
0x23: {  	s9 =	sor.u32 $0xD0000000, s2;
	s6 =	simm.s32 $0x108;
	_ =	swait.ge @!p0 [sflag:s8], $0x0  }
0x24: {  	s3 =	sadd.s32 $0x88, s3;
	s6 =	simm.s32 @!p1 $0x1082;
	[sflag:s4] =	ssyncset.s32 $0xFFFFF086  }
0x25: {  	[simem:s6], [sflag:s4] =	dma.local [hbm:s3], $0xF7A  }
0x26: {  	[smem:$0x3F9D] =	sst s1;
	(tag) =	ssettag s2;
	_ =	strace s9  }
0x27: {  	s1 =	sld [smem:$0x3FAD]  }
0x28: {  	s2 =	sld [smem:$0x3FAE]  }
0x29: {  	s4 =	sld [smem:$0x3FB0]  }
0x2a: {  	p0 =	seq.s32 s5, $0x0;
	s5 =	sld [smem:$0x3FB1]  }
0x2b: {  	s6 =	sld [smem:$0x3FB2]  }
0x2c: {  	s7 =	sld [smem:$0x3FB3]  }
0x2d: {  	s3 =	simm.s32 $0x108;
	s8 =	sld [smem:$0x3FB4]  }
0x2e: {  	s3 =	simm.s32 @!p0 $0x1082;
	s9 =	sld [smem:$0x3FB5]  }
0x2f: {  	lr =	sadd.s32 s0, s3;
	s0 =	sld [smem:$0x3FAC]  }
0x30: {  	s3 =	sld [smem:$0x3FAF]  }
0x31: {  	[smem:$0x3FB8] =	sst s10  }
0x32: {  	s10 =	sld [smem:$0x3FB6];
	_ =	sdelay $0x3  }
0x33: {  	p0 =	seq.s32 s10, $0x1;
	s10 =	sld [smem:$0x3FB8];
	_ =	sdelay $0x3  }
0x34: {  	[smem:$0x3FB8] =	sst s10  }
0x35: {  	s10 =	sld [smem:$0x3FB7];
	_ =	sdelay $0x3  }
0x36: {  	p1 =	seq.s32 s10, $0x1;
	s10 =	sld [smem:$0x3FB8];
	_ =	sdelay $0x3  }
0x37: {  	[smem:$0x3FB8] =	sst s10  }
0x38: {  	s10 =	sld [smem:$0x3FB9]  }
0x39: {  	_ = 	snop;
	(pc) =	sbr.ind lr, $3  }
0x3a: {  	_ = 	snop  }
0x3b: {  	_ = 	snop  }
0x3c: {  	p2 =	seq.s32 s10, $0x1;
	s10 =	sld [smem:$0x3FB8]  }
0x3d: {  	_ =	shalt  }
0x3e: {  	_ =	shalt  }
0x3f: {  	_ =	shalt  }
0x40: {  	_ =	shalt  }
0x41: {  	_ =	shalt  }
0x42: {  	_ =	shalt  }
0x43: {  	_ =	shalt  }
0x44: {  	_ =	shalt  }
0x45: {  	_ =	shalt  }
0x46: {  	_ =	shalt  }
0x47: {  	_ =	shalt  }
0x48: {  	_ =	shalt  }
0x49: {  	_ =	shalt  }
0x4a: {  	_ =	shalt  }
0x4b: {  	_ =	shalt  }
0x4c: {  	_ =	shalt  }
0x4d: {  	_ =	shalt  }
0x4e: {  	_ =	shalt  }
0x4f: {  	_ =	shalt  }
0x50: {  	_ =	shalt  }
0x51: {  	_ =	shalt  }
0x52: {  	_ =	shalt  }
0x53: {  	_ =	shalt  }
0x54: {  	_ =	shalt  }
0x55: {  	_ =	shalt  }
0x56: {  	_ =	shalt  }
0x57: {  	_ =	shalt  }
0x58: {  	_ =	shalt  }
0x59: {  	_ =	shalt  }
0x5a: {  	_ =	shalt  }
0x5b: {  	_ =	shalt  }
0x5c: {  	_ =	shalt  }
0x5d: {  	_ =	shalt  }
0x5e: {  	_ =	shalt  }
0x5f: {  	_ =	shalt  }
0x60: {  	_ =	shalt  }
0x61: {  	_ =	shalt  }
0x62: {  	_ =	shalt  }
0x63: {  	_ =	shalt  }
0x64: {  	_ =	shalt  }
0x65: {  	_ =	shalt  }
0x66: {  	_ =	shalt  }
0x67: {  	_ =	shalt  }
0x68: {  	_ =	shalt  }
0x69: {  	_ =	shalt  }
0x6a: {  	_ =	shalt  }
0x6b: {  	_ =	shalt  }
0x6c: {  	_ =	shalt  }
0x6d: {  	_ =	shalt  }
0x6e: {  	_ =	shalt  }
0x6f: {  	_ =	shalt  }
0x70: {  	_ =	shalt  }
0x71: {  	_ =	shalt  }
0x72: {  	_ =	shalt  }
0x73: {  	_ =	shalt  }
0x74: {  	_ =	shalt  }
0x75: {  	_ =	shalt  }
0x76: {  	_ =	shalt  }
0x77: {  	_ =	shalt  }
0x78: {  	_ =	shalt  }
0x79: {  	_ =	shalt  }
0x7a: {  	_ =	shalt  }
0x7b: {  	_ =	shalt  }
0x7c: {  	_ =	shalt  }
0x7d: {  	_ =	shalt  }
0x7e: {  	_ =	shalt  }
0x7f: {  	_ =	shalt  }
0x80: {  	_ =	shalt  }
0x81: {  	_ =	shalt  }
0x82: {  	_ =	shalt  }
0x83: {  	_ =	shalt  }
0x84: {  	_ =	shalt  }
0x85: {  	_ =	shalt  }
0x86: {  	_ =	shalt  }
0x87: {  	_ =	shalt  }
.Lfunc_end0:
.L_simem_size_0:
called_computation.1_lowered:
.L_overlay_start_0:
0x88: {  	s2 =	sld [smem:$0x3FD9]  }
0x89: {  	s3 =	sld [smem:$0x3FFE];
	_ =	sdelay $0x1  }
0x8a: {  	s1 =	srdreg.scid  }
0x8b: {  	s0 =	sand.u32 $0x1, s1  }
0x8c: {  	s17 =	sshll.u32 s0, $0xA;
	s2 =	sadd.s32 s3, s2  }
0x8d: {  	s2 =	sadd.s32 s2, s17  }
0x8e: {  	[smem:$0x3FC4] =	sst s2  }
0x8f: {  	_ = 	snop  }
0x90: {  	s2 =	sld [smem:$0x3FD0];
	(tm) =	ssettm $0x1  }
0x91: {  	s18 =	sld [smem:$0x3FFB];
	_ =	sdelay $0x3  }
0x92: {  	_ =	strace s18  }
0x93: {  	s3 =	sld [smem:$0x3FFC];
	_ =	sdelay $0x3  }
0x94: {  	_ =	strace s3  }
0x95: {  	s3 =	sld [smem:$0x3FFD];
	_ =	sdelay $0x3  }
0x96: {  	_ =	strace s3  }
0x97: {  	_ =	strace $0x8FFFFFFF  }
0x98: {  	s19 =	sld [smem:$0x3FDB];
	_ =	sdelay $0x1  }
0x99: {  	s4 =	simm.s32 $_scs_section_size  }
0x9a: {  	s5 =	simm.s32 $_size__tile_overlayer_lowered;
	s6 =	simm.s32 $_tile_overlayer_lowered  }
0x9b: {  	s22 =	simm.s32 $0x1BFF;
	s21 =	sshll.u32 s6, $0x1;
	s3 =	sadd.s32 s4, s19  }
0x9c: {  	s7 =	simm.s32 $0x0;
	s20 =	sshll.u32 s5, $0x1;
	s5 =	sadd.s32 s21, s3  }
0x9d: {  	[timem:s7], [sflag:s22] =	dma.local [hbm:s5], s20  }
0x9e: {  	_ =	swait.ge [sflag:s22], s20  }
0x9f: {  	s4 =	ssub.s32 $0x0, s20;
	[sflag:s22] =	ssyncset.done $0x0  }
0xa0: {  	[sflag:s22] =	ssyncadd.s32 s4;
	_ =	sdelay $0x1  }
0xa1: {  	s23 =	simm.s32 $0x1B8B  }
0xa2: {  	_ =	swait.ge [sflag:s23], $0x1  }
0xa3: {  	[sflag:s23] =	ssyncset.done $0x0  }
0xa4: {  	s25 =	simm.s32 $0x1B8E;
	s24 =	sld [smem:$0x3FFE];
	[sflag:s23] =	ssyncadd.s32 $0xFFFFFFFF  }
0xa5: {  	s26 =	simm.s32 $execute0_lowered;
	[smem:$0x3FD2] =	sst s25  }
0xa6: {  	s5 =	sshll.u32 s26, $0x1;
	_ =	strace $0x80000049;
	[dreg:$0x1] =	wrdreg $0xFFFFFFFF  }
0xa7: {  	s28 =	simm.s32 $_size_execute0_lowered;
	s3 =	sadd.s32 s3, s5;
	[dreg:$0x0] =	wrdreg $0x0  }
0xa8: {  	s5 =	sshll.u32 s28, $0x1;
	[dreg:$0x2] =	wrdreg s3  }
0xa9: {  	[dreg:$0x3] =	wrdreg s5  }
0xaa: {  	[dreg:$0x4] =	wrdreg $0xC0  }
0xab: {  	_ =	task [dreg:s7], $0x5FFFF  }
0xac: {  	[dreg:$0x1] =	wrdreg $0xFFFFFFFF  }
0xad: {  	[dreg:$0x0] =	wrdreg $0x60  }
0xae: {  	[dreg:$0x2] =	wrdreg s2  }
0xaf: {  	[dreg:$0x3] =	wrdreg s24  }
0xb0: {  	[dreg:$0x4] =	wrdreg $0xA8000  }
0xb1: {  	[dreg:$0x5] =	wrdreg $0x9  }
0xb2: {  	_ =	task.clear_ibuf [dreg:s7], $0x6FFFF;
	_ =	strace $0x90000049  }
0xb3: {  	s29 =	simm.s32 $0x9;
	_ =	strace $0x8000004B  }
0xb4: {  	_ =	swait.ge [sflag:s29], $0x1  }
0xb5: {  	[sflag:s29] =	ssyncadd.s32 $0xFFFFFFFF  }
0xb6: {  	_ =	strace $0x9000004B  }
0xb7: {  	_ =	sfence  }
0xb8: {  	s30 =	sld [smem:$0x0];
	_ =	sdelay $0x2  }
0xb9: {  	s31 =	sshll.u32 s1, $0xD;
	s1 =	sshrl.u32 s1, $0x2  }
0xba: {  	s3 =	sand.u32 $0x4000, s31;
	s1 =	sadd.s32 s1, s30  }
0xbb: {  	s0 =	sor.u32 s3, s0;
	s1 =	sshll.u32 s1, $0x11  }
0xbc: {  	s0 =	sor.u32 s1, s0  }
0xbd: {  	s0 =	sadd.s32 $0x8F2B, s0  }
0xbe: {  	[sflag:s0] =	ssyncadd.remote.s32 $0x1  }
0xbf: {  	_ =	sfence.sel $0xFFFF  }
0xc0: {  	[dreg:$0x0] =	wrdreg $0xFFFFFFFF;
	(pc) =	sbr.abs _section_cstart, $3  }
0xc1: {  	[dreg:$0x1] =	wrdreg $0xFFFFFFFF  }
0xc2: {  	_ =	task.clear_ibuf [dreg:s7], $0x2FFFF;
	_ =	strace $0x9FFFFFFF  }
0xc3: {  	(tm) =	ssettm $0x7FFFFFFF  }
tec
execute0_lowered:
.L_overlay_start_1:
0x0: {  	(tag) =	ssettag $0x1  }
0x1: {  	s1 =	rddreg [dreg:$0x0]  }
0x2: {  	s0 =	rddreg [dreg:$0x1]  }
0x3: {  	s2 =	rddreg [dreg:$0x2];
	s4 =	simm.s32 $0x0  }
0x4: {  	s3 =	srdreg.scid;
	s13 =	stileid.u32;
	s28 =	simm.s32 $0x40  }
0x5: {  	s29 =	simm.s32 $0x80;
	s30 =	simm.s32 $0x4800;
	s31 =	simm.s32 $0x100  }
0x6: {  	[smem:$0x7FF] =	sst s4;
	s3 =	sand.u32 $0x1, s3;
	s5 =	smul.u32 $0xA0, s13  }
0x7: {  	s6 =	sadd.s32 $0x1E00, s0;
	s10 =	sadd.s32 $0x29E00, s0;
	s11 =	smul.u32 $0x13800, s13  }
0x8: {  	s14 =	smul.u32 $0x50000, s13;
	p1 =	seq.s32 s13, $0xF;
	_ =	strace $0x8000004A  }
0x9: {  	s7 =	ssub.s32 $0x2, s3;
	s9 =	smul.u32 $0x138800, s3;
	p0 =	seq.s32 s3, $0x1  }
0xa: {  	s8 =	sshrl.u32 s7, $0x1;
	s17 =	sshrl.u32 s14, $0x2;
	s14 =	simm.s32 $0x4  }
0xb: {  	s12 =	ssub.s32 s7, s8;
	s7 =	sadd.s32 $0x15E00, s0;
	s8 =	sadd.s32 $0xA00, s5  }
0xc: {  	s3 =	sadd.s32 s11, s9;
	s11 =	smul.u32 $0x4E000, s13;
	s9 =	sshrl.u32 s9, $0x3  }
0xd: {  	s13 =	simm.s32 $0x3;
	s0 =	sshrl.u32 s3, $0x3;
	s18 =	smax.u32 s12, $0x1  }
0xe: {  	s16 =	sadd.s32 s10, s9;
	s0 =	sadd.s32 s10, s0;
	[dreg:$0x6] =	wrdreg s18  }
0xf: {  	s12 =	sadd.s32 s17, s2;
	s3 =	sadd.s32 $0x24900, s16;
	[dreg:$0x4] =	wrdreg s0  }
0x10: {  	s9 =	sadd.s32 $0x124800, s2;
	s19 =	sadd.s32 $0x4000, s12;
	[dreg:$0x5] =	wrdreg s3  }
0x11: {  	s17 =	simm.s32 $0x2700;
	s20 =	sadd.s32 $0x6000, s12;
	[dreg:$0x8] =	wrdreg s19  }
0x12: {  	s15 =	sshrl.u32 s11, $0x2;
	s21 =	sadd.s32 $0x8000, s12;
	[dreg:$0x9] =	wrdreg s20  }
0x13: {  	s22 =	sadd.s32 $0xA000, s12;
	s23 =	sadd.s32 $0xC000, s12;
	[dreg:$0xa] =	wrdreg s21  }
0x14: {  	s24 =	sadd.s32 $0xE000, s12;
	s25 =	sadd.s32 $0x10000, s12;
	[dreg:$0xb] =	wrdreg s22  }
0x15: {  	s26 =	sadd.s32 $0x12000, s12;
	s10 =	simm.s32 $0x1;
	[dreg:$0xc] =	wrdreg s23  }
0x16: {  	s11 =	simm.s32 $0x2;
	s16 =	simm.s32 $0x2680;
	[dreg:$0xd] =	wrdreg s24  }
0x17: {  	s18 =	simm.s32 $0x2780;
	s0 =	sadd.s32 s15, s2;
	[dreg:$0xe] =	wrdreg s25  }
.Ltmp0:
0x18: {  	s3 =	sadd.s32 $0x2000, s12;
	[dreg:$0xf] =	wrdreg s26;
	(pc) =	sbr.rel .LBB2_1-.Ltmp0, $4  }
0x19: {  	s22 =	simm.s32 $0x2800;
	s23 =	simm.s32 $0x5;
	s26 =	simm.s32 $0x1400  }
0x1a: {  	s15 =	simm.s32 $0x2600;
	[dreg:$0x7] =	wrdreg s3;
	s3 =	sshrl.u32 @p1 s9, $0x3  }
0x1b: {  	s0 =	sshrl.u32 @!p1 s0, $0x3;
	s9 =	simm.s32 $0x8800;
	[dreg:$0x10] =	wrdreg s3  }
0x1c: {  	v0 =	vimm.f32 $0.0e+00;
	[dreg:$0x11] =	wrdreg s0;
	s0 =	simm.s32 $0x6800;
	s3 =	simm.s32 $0x180  }
.LBB2_10:
0x1d: {  	[bflag:$0x0] =	sbarrier.arrive $0xFFFF  }
0x1e: {  	s20 =	rddreg [dreg:$0x5]  }
0x1f: {  	s19 =	simm.s32 @p1 $0x1FC5;
	s21 =	rddreg [dreg:$0x10]  }
0x20: {  	[hbm:s20], [sflag:s19] =	dma.local @p1 [spmem:s21], $0x2800  }
0x21: {  	s19 =	simm.s32 @p1 $0x5  }
0x22: {  	s20 =	stileid.u32;
	_ =	swait.ge @p1 [sflag:s19], $0x2800  }
0x23: {  	s20 =	sshll.u32 @!p1 s20, $0x6;
	[sflag:s19] =	ssyncset.done @p1 $0x0;
	s21 =	rddreg [dreg:$0x11]  }
0x24: {  	[sflag:s19] =	ssyncadd.s32 @p1 $0xFFFFD800;
	s19 =	sor.u32 @!p1 $0x1C05, s20;
	s20 =	rddreg [dreg:$0x4]  }
0x25: {  	[hbm:s20], [sflag:s19] =	dma.local @!p1 [spmem:s21], $0x2700  }
0x26: {  	s19 =	simm.s32 @!p1 $0x5  }
0x27: {  	_ =	swait.ge @!p1 [sflag:s19], $0x2700  }
0x28: {  	s4 =	sadd.s32 $0x1, s4;
	s25 =	rddreg [dreg:$0x6]  }
0x29: {  	p2 =	sne.s32 s4, s25  }
.Ltmp1:
0x2a: {  	_ = 	snop;
	(pc) =	sbr.rel @!p2 .LBB2_11-.Ltmp1, $3  }
0x2b: {  	_ =	sdelay $0x1  }
0x2c: {  	[sflag:s19] =	ssyncset.done @!p1 $0x0  }
0x2d: {  	[sflag:s19] =	ssyncadd.s32 @!p1 $0xFFFFD900  }
.LBB2_1:
0x2e: {  	s19 =	simm.s32 $0x0;
	s20 =	simm.s32 $0x200  }
.LBB2_2:
0x2f: {  	p2 =	sne.s32 s20, $0x7E00;
	[tilespmem:s19+$0x2870] =	vst v0  }
0x30: {  	[tilespmem:s19+$0x2800] =	vst v0  }
0x31: {  	[tilespmem:s19+$0x2810] =	vst v0  }
.Ltmp2:
0x32: {  	[tilespmem:s19+$0x2820] =	vst v0;
	(pc) =	sbr.rel @p2 .LBB2_2-.Ltmp2, $4  }
0x33: {  	[tilespmem:s19+$0x2830] =	vst v0  }
0x34: {  	[tilespmem:s19+$0x2840] =	vst v0  }
0x35: {  	[tilespmem:s19+$0x2850] =	vst v0  }
0x36: {  	[tilespmem:s19+$0x2860] =	vst v0;
	s19 =	sshra.s32 s20, $0x2;
	s20 =	sadd.s32 $0x200, s20  }
0x37: {  	[tilespmem:s19+$0x2870] =	vst v0  }
0x38: {  	[tilespmem:s19+$0x2800] =	vst v0  }
0x39: {  	[tilespmem:s19+$0x2810] =	vst v0  }
0x3a: {  	[tilespmem:s19+$0x2820] =	vst v0  }
0x3b: {  	[tilespmem:s19+$0x2830] =	vst v0  }
0x3c: {  	[tilespmem:s19+$0x2840] =	vst v0  }
0x3d: {  	[tilespmem:s19+$0x2850] =	vst v0  }
0x3e: {  	[tilespmem:s19+$0x2860] =	vst v0  }
0x3f: {  	[spmem:s12] =	stream.linear.scatter [tilespmem:s22], [sflag:$0x5], $0x2000, $0x38;
	[tilespmem:$0x1E800] =	vst v63  }
0x40: {  	_ =	swait.ge [sflag:s23], $0x2000  }
0x41: {  	[sflag:s23] =	ssyncset.done $0x0  }
0x42: {  	s25 =	rddreg [dreg:$0x7];
	[sflag:s23] =	ssyncadd.s32 $0xFFFFE000  }
0x43: {  	[spmem:s25] =	stream.linear.scatter [tilespmem:s22], [sflag:$0x5], $0x2000, $0x38;
	[tilespmem:$0x1E800] =	vst v63  }
0x44: {  	_ =	swait.ge [sflag:s23], $0x2000  }
0x45: {  	[sflag:s23] =	ssyncset.done $0x0  }
0x46: {  	s20 =	rddreg [dreg:$0x8];
	[sflag:s23] =	ssyncadd.s32 $0xFFFFE000  }
0x47: {  	[spmem:s20] =	stream.linear.scatter [tilespmem:s22], [sflag:$0x5], $0x2000, $0x38;
	[tilespmem:$0x1E800] =	vst v63  }
0x48: {  	_ =	swait.ge [sflag:s23], $0x2000  }
0x49: {  	[sflag:s23] =	ssyncset.done $0x0  }
0x4a: {  	s21 =	rddreg [dreg:$0x9];
	[sflag:s23] =	ssyncadd.s32 $0xFFFFE000  }
0x4b: {  	[spmem:s21] =	stream.linear.scatter [tilespmem:s22], [sflag:$0x5], $0x2000, $0x38;
	[tilespmem:$0x1E800] =	vst v63  }
0x4c: {  	_ =	swait.ge [sflag:s23], $0x2000  }
0x4d: {  	[sflag:s23] =	ssyncset.done $0x0  }
0x4e: {  	s24 =	rddreg [dreg:$0xa];
	[sflag:s23] =	ssyncadd.s32 $0xFFFFE000  }
0x4f: {  	[spmem:s24] =	stream.linear.scatter [tilespmem:s22], [sflag:$0x5], $0x2000, $0x38;
	[tilespmem:$0x1E800] =	vst v63  }
0x50: {  	_ =	swait.ge [sflag:s23], $0x2000  }
0x51: {  	[sflag:s23] =	ssyncset.done $0x0  }
0x52: {  	s25 =	rddreg [dreg:$0xb];
	[sflag:s23] =	ssyncadd.s32 $0xFFFFE000  }
0x53: {  	[spmem:s25] =	stream.linear.scatter [tilespmem:s22], [sflag:$0x5], $0x2000, $0x38;
	[tilespmem:$0x1E800] =	vst v63  }
0x54: {  	_ =	swait.ge [sflag:s23], $0x2000  }
0x55: {  	[sflag:s23] =	ssyncset.done $0x0  }
0x56: {  	s20 =	rddreg [dreg:$0xc];
	[sflag:s23] =	ssyncadd.s32 $0xFFFFE000  }
0x57: {  	[spmem:s20] =	stream.linear.scatter [tilespmem:s22], [sflag:$0x5], $0x2000, $0x38;
	[tilespmem:$0x1E800] =	vst v63  }
0x58: {  	_ =	swait.ge [sflag:s23], $0x2000  }
0x59: {  	[sflag:s23] =	ssyncset.done $0x0  }
0x5a: {  	s21 =	rddreg [dreg:$0xd];
	[sflag:s23] =	ssyncadd.s32 $0xFFFFE000  }
0x5b: {  	[spmem:s21] =	stream.linear.scatter [tilespmem:s22], [sflag:$0x5], $0x2000, $0x38;
	[tilespmem:$0x1E800] =	vst v63  }
0x5c: {  	_ =	swait.ge [sflag:s23], $0x2000  }
0x5d: {  	[sflag:s23] =	ssyncset.done $0x0  }
0x5e: {  	s24 =	rddreg [dreg:$0xe];
	[sflag:s23] =	ssyncadd.s32 $0xFFFFE000  }
0x5f: {  	[spmem:s24] =	stream.linear.scatter [tilespmem:s22], [sflag:$0x5], $0x2000, $0x38;
	[tilespmem:$0x1E800] =	vst v63  }
0x60: {  	_ =	swait.ge [sflag:s23], $0x2000  }
0x61: {  	[sflag:s23] =	ssyncset.done $0x0  }
0x62: {  	s25 =	rddreg [dreg:$0xf];
	[sflag:s23] =	ssyncadd.s32 $0xFFFFE000  }
0x63: {  	[spmem:s25] =	stream.linear.scatter [tilespmem:s22], [sflag:$0x5], $0x2000, $0x38;
	[tilespmem:$0x1E800] =	vst v63  }
.Ltmp3:
0x64: {  	_ =	swait.ge [sflag:s23], $0x2000;
	(pc) =	sbr.rel @!p0 .LBB2_4-.Ltmp3, $4  }
0x65: {  	[sflag:s23] =	ssyncset.done $0x0  }
0x66: {  	[sflag:s23] =	ssyncadd.s32 $0xFFFFE000  }
0x67: {  	[bflag:$0x0] =	sbarrier.arrive $0xFFFF  }
0x68: {  	s19 =	simm.s32 $0x0;
	s20 =	simm.s32 $0x0;
	s21 =	simm.s32 $0x0  }
.LBB2_7:
0x69: {  	s20 =	smul.u32 $0x28, s21;
	_ =	sdelay $0x1  }
0x6a: {  	s20 =	sadd.s32 s20, s8  }
0x6b: {  	s20 =	sshll.u32 s20, $0x4  }
0x6c: {  	s24 =	sadd.s32 s6, s20  }
0x6d: {  	[tilespmem:s19], [sflag:$0x5] =	stream.linear.gather [hbm4b:s24+s19], $0x1400, $0x38;
	[tilespmem:$0x1E800] =	vst v63  }
0x6e: {  	_ =	swait.ge [sflag:s23], $0x1400  }
0x6f: {  	[sflag:s23] =	ssyncset.done $0x0  }
0x70: {  	s20 =	sadd.s32 s20, s7;
	[sflag:s23] =	ssyncadd.s32 $0xFFFFEC00  }
0x71: {  	[tilespmem:s26], [sflag:$0x5] =	stream.linear.gather [hbm4b:s20+s19], $0x1400, $0x38;
	[tilespmem:$0x1E800] =	vst v63  }
0x72: {  	_ =	swait.ge [sflag:s23], $0x1400  }
0x73: {  	[sflag:s23] =	ssyncset.done $0x0  }
0x74: {  	[sflag:s23] =	ssyncadd.s32 $0xFFFFEC00  }
0x75: {  	[tilespmem:s22], [sflag:$0x1] =	stream.indirect.gather [hbm4b:s1+s28], $0x80, s19, s28, $0xb8;
	[tilespmem:$0x1E800] =	vst v63  }
0x76: {  	_ = 	snop  }
0x77: {  	[tilespmem:s30], [sflag:$0x2] =	stream.indirect.gather [hbm4b:s1+s28], $0x80, s29, s28, $0xb8;
	[tilespmem:$0x1E800] =	vst v63  }
0x78: {  	_ = 	snop  }
0x79: {  	[tilespmem:s0], [sflag:$0x3] =	stream.indirect.gather [hbm4b:s1+s28], $0x80, s31, s28, $0xb8;
	[tilespmem:$0x1E800] =	vst v63  }
0x7a: {  	_ = 	snop  }
0x7b: {  	[tilespmem:s9], [sflag:$0x4] =	stream.indirect.gather [hbm4b:s1+s28], $0x80, s3, s28, $0xb8;
	[tilespmem:$0x1E800] =	vst v63  }
0x7c: {  	_ =	swait.ge [sflag:s10], $0x2000  }
0x7d: {  	[sflag:s10] =	ssyncset.done $0x0  }
0x7e: {  	s25 =	simm.s32 $0x1400;
	[sflag:s10] =	ssyncadd.s32 $0xFFFFE000  }
0x7f: {  	[spmem:s2] =	stream.indirect.scatter.add.f32 [tilespmem:s22], [sflag:$0x5], $0x80, s25, s28, $0xb8;
	[tilespmem:$0x1E800] =	vst v63  }
0x80: {  	_ =	swait.ge [sflag:s23], $0x2000  }
0x81: {  	[sflag:s23] =	ssyncset.done $0x0  }
0x82: {  	s24 =	simm.s32 $0x200;
	[sflag:s23] =	ssyncadd.s32 $0xFFFFE000  }
0x83: {  	[tilespmem:s22], [sflag:$0x1] =	stream.indirect.gather [hbm4b:s1+s28], $0x80, s24, s28, $0xb8;
	[tilespmem:$0x1E800] =	vst v63  }
0x84: {  	_ =	swait.ge [sflag:s11], $0x2000  }
0x85: {  	[sflag:s11] =	ssyncset.done $0x0  }
0x86: {  	s25 =	simm.s32 $0x1480;
	[sflag:s11] =	ssyncadd.s32 $0xFFFFE000  }
0x87: {  	[spmem:s2] =	stream.indirect.scatter.add.f32 [tilespmem:s30], [sflag:$0x5], $0x80, s25, s28, $0xb8;
	[tilespmem:$0x1E800] =	vst v63  }
0x88: {  	_ =	swait.ge [sflag:s23], $0x2000  }
0x89: {  	[sflag:s23] =	ssyncset.done $0x0  }
0x8a: {  	s24 =	simm.s32 $0x280;
	[sflag:s23] =	ssyncadd.s32 $0xFFFFE000  }
0x8b: {  	[tilespmem:s30], [sflag:$0x2] =	stream.indirect.gather [hbm4b:s1+s28], $0x80, s24, s28, $0xb8;
	[tilespmem:$0x1E800] =	vst v63  }
0x8c: {  	_ =	swait.ge [sflag:s13], $0x2000  }
0x8d: {  	[sflag:s13] =	ssyncset.done $0x0  }
0x8e: {  	s25 =	simm.s32 $0x1500;
	[sflag:s13] =	ssyncadd.s32 $0xFFFFE000  }
0x8f: {  	[spmem:s2] =	stream.indirect.scatter.add.f32 [tilespmem:s0], [sflag:$0x5], $0x80, s25, s28, $0xb8;
	[tilespmem:$0x1E800] =	vst v63  }
0x90: {  	_ =	swait.ge [sflag:s23], $0x2000  }
0x91: {  	[sflag:s23] =	ssyncset.done $0x0  }
0x92: {  	s24 =	simm.s32 $0x300;
	[sflag:s23] =	ssyncadd.s32 $0xFFFFE000  }
0x93: {  	[tilespmem:s0], [sflag:$0x3] =	stream.indirect.gather [hbm4b:s1+s28], $0x80, s24, s28, $0xb8;
	[tilespmem:$0x1E800] =	vst v63  }
0x94: {  	_ =	swait.ge [sflag:s14], $0x2000  }
0x95: {  	[sflag:s14] =	ssyncset.done $0x0  }
0x96: {  	s25 =	simm.s32 $0x1580;
	[sflag:s14] =	ssyncadd.s32 $0xFFFFE000  }
0x97: {  	[spmem:s2] =	stream.indirect.scatter.add.f32 [tilespmem:s9], [sflag:$0x5], $0x80, s25, s28, $0xb8;
	[tilespmem:$0x1E800] =	vst v63  }
0x98: {  	_ =	swait.ge [sflag:s23], $0x2000  }
0x99: {  	[sflag:s23] =	ssyncset.done $0x0  }
0x9a: {  	s20 =	simm.s32 $0x800;
	s24 =	simm.s32 $0x380;
	[sflag:s23] =	ssyncadd.s32 $0xFFFFE000  }
.LBB2_8:
0x9b: {  	[tilespmem:s9], [sflag:$0x4] =	stream.indirect.gather [hbm4b:s1+s28], $0x80, s24, s28, $0xb8;
	[tilespmem:$0x1E800] =	vst v63  }
0x9c: {  	s24 =	smov.u32 s20  }
0x9d: {  	p2 =	sne.s32 s20, $0x4000;
	s20 =	sadd.s32 $0x800, s20;
	_ =	swait.ge [sflag:s10], $0x2000  }
0x9e: {  	s24 =	sshra.s32 s24, $0x2;
	[sflag:s10] =	ssyncset.done $0x0  }
0x9f: {  	s25 =	sadd.s32 $0x1400, s24;
	[sflag:s10] =	ssyncadd.s32 $0xFFFFE000  }
0xa0: {  	[spmem:s2] =	stream.indirect.scatter.add.f32 [tilespmem:s22], [sflag:$0x5], $0x80, s25, s28, $0xb8;
	[tilespmem:$0x1E800] =	vst v63  }
0xa1: {  	_ =	swait.ge [sflag:s23], $0x2000  }
0xa2: {  	[sflag:s23] =	ssyncset.done $0x0  }
0xa3: {  	s25 =	sadd.s32 $0x200, s24;
	[sflag:s23] =	ssyncadd.s32 $0xFFFFE000  }
0xa4: {  	[tilespmem:s22], [sflag:$0x1] =	stream.indirect.gather [hbm4b:s1+s28], $0x80, s25, s28, $0xb8;
	[tilespmem:$0x1E800] =	vst v63  }
0xa5: {  	_ =	swait.ge [sflag:s11], $0x2000  }
0xa6: {  	[sflag:s11] =	ssyncset.done $0x0  }
0xa7: {  	s25 =	sadd.s32 $0x1480, s24;
	[sflag:s11] =	ssyncadd.s32 $0xFFFFE000  }
0xa8: {  	[spmem:s2] =	stream.indirect.scatter.add.f32 [tilespmem:s30], [sflag:$0x5], $0x80, s25, s28, $0xb8;
	[tilespmem:$0x1E800] =	vst v63  }
0xa9: {  	_ =	swait.ge [sflag:s23], $0x2000  }
0xaa: {  	[sflag:s23] =	ssyncset.done $0x0  }
0xab: {  	s25 =	sadd.s32 $0x280, s24;
	[sflag:s23] =	ssyncadd.s32 $0xFFFFE000  }
0xac: {  	[tilespmem:s30], [sflag:$0x2] =	stream.indirect.gather [hbm4b:s1+s28], $0x80, s25, s28, $0xb8;
	[tilespmem:$0x1E800] =	vst v63  }
0xad: {  	_ =	swait.ge [sflag:s13], $0x2000  }
0xae: {  	[sflag:s13] =	ssyncset.done $0x0  }
0xaf: {  	s25 =	sadd.s32 $0x1500, s24;
	[sflag:s13] =	ssyncadd.s32 $0xFFFFE000  }
0xb0: {  	[spmem:s2] =	stream.indirect.scatter.add.f32 [tilespmem:s0], [sflag:$0x5], $0x80, s25, s28, $0xb8;
	[tilespmem:$0x1E800] =	vst v63  }
0xb1: {  	_ =	swait.ge [sflag:s23], $0x2000  }
0xb2: {  	[sflag:s23] =	ssyncset.done $0x0  }
0xb3: {  	s25 =	sadd.s32 $0x300, s24;
	[sflag:s23] =	ssyncadd.s32 $0xFFFFE000  }
0xb4: {  	[tilespmem:s0], [sflag:$0x3] =	stream.indirect.gather [hbm4b:s1+s28], $0x80, s25, s28, $0xb8;
	[tilespmem:$0x1E800] =	vst v63  }
0xb5: {  	_ =	swait.ge [sflag:s14], $0x2000  }
0xb6: {  	[sflag:s14] =	ssyncset.done $0x0  }
.Ltmp4:
0xb7: {  	s25 =	sadd.s32 $0x1580, s24;
	[sflag:s14] =	ssyncadd.s32 $0xFFFFE000;
	(pc) =	sbr.rel @p2 .LBB2_8-.Ltmp4, $4  }
0xb8: {  	[spmem:s2] =	stream.indirect.scatter.add.f32 [tilespmem:s9], [sflag:$0x5], $0x80, s25, s28, $0xb8;
	[tilespmem:$0x1E800] =	vst v63  }
0xb9: {  	_ =	swait.ge [sflag:s23], $0x2000  }
0xba: {  	[sflag:s23] =	ssyncset.done $0x0  }
0xbb: {  	s24 =	sadd.s32 $0x380, s24;
	[sflag:s23] =	ssyncadd.s32 $0xFFFFE000  }
0xbc: {  	[tilespmem:s9], [sflag:$0x4] =	stream.indirect.gather [hbm4b:s1+s28], $0x80, s24, s28, $0xb8;
	[tilespmem:$0x1E800] =	vst v63  }
0xbd: {  	_ =	swait.ge [sflag:s10], $0x2000  }
0xbe: {  	[sflag:s10] =	ssyncset.done $0x0  }
0xbf: {  	[sflag:s10] =	ssyncadd.s32 $0xFFFFE000  }
0xc0: {  	[spmem:s2] =	stream.indirect.scatter.add.f32 [tilespmem:s22], [sflag:$0x5], $0x80, s15, s28, $0xb8;
	[tilespmem:$0x1E800] =	vst v63  }
0xc1: {  	_ =	swait.ge [sflag:s23], $0x2000  }
0xc2: {  	[sflag:s23] =	ssyncset.done $0x0  }
0xc3: {  	[sflag:s23] =	ssyncadd.s32 $0xFFFFE000  }
0xc4: {  	_ =	swait.ge [sflag:s11], $0x2000  }
0xc5: {  	[sflag:s11] =	ssyncset.done $0x0  }
0xc6: {  	[sflag:s11] =	ssyncadd.s32 $0xFFFFE000  }
0xc7: {  	[spmem:s2] =	stream.indirect.scatter.add.f32 [tilespmem:s30], [sflag:$0x5], $0x80, s16, s28, $0xb8;
	[tilespmem:$0x1E800] =	vst v63  }
0xc8: {  	_ =	swait.ge [sflag:s23], $0x2000  }
0xc9: {  	[sflag:s23] =	ssyncset.done $0x0  }
0xca: {  	[sflag:s23] =	ssyncadd.s32 $0xFFFFE000  }
0xcb: {  	_ =	swait.ge [sflag:s13], $0x2000  }
0xcc: {  	[sflag:s13] =	ssyncset.done $0x0  }
0xcd: {  	[sflag:s13] =	ssyncadd.s32 $0xFFFFE000  }
0xce: {  	[spmem:s2] =	stream.indirect.scatter.add.f32 [tilespmem:s0], [sflag:$0x5], $0x80, s17, s28, $0xb8;
	[tilespmem:$0x1E800] =	vst v63  }
0xcf: {  	_ =	swait.ge [sflag:s23], $0x2000  }
0xd0: {  	[sflag:s23] =	ssyncset.done $0x0  }
0xd1: {  	[sflag:s23] =	ssyncadd.s32 $0xFFFFE000  }
0xd2: {  	_ =	swait.ge [sflag:s14], $0x2000  }
0xd3: {  	s21 =	sadd.s32 $0x1, s21;
	[sflag:s14] =	ssyncset.done $0x0  }
0xd4: {  	p2 =	sne.s32 s21, $0x4;
	[sflag:s14] =	ssyncadd.s32 $0xFFFFE000  }
0xd5: {  	[spmem:s2] =	stream.indirect.scatter.add.f32 [tilespmem:s9], [sflag:$0x5], $0x80, s18, s28, $0xb8;
	[tilespmem:$0x1E800] =	vst v63  }
.Ltmp5:
0xd6: {  	_ = 	snop;
	(pc) =	sbr.rel @p2 .LBB2_7-.Ltmp5, $4  }
.Ltmp6:
0xd7: {  	_ = 	snop;
	(pc) =	sbr.rel @!p2 .LBB2_10-.Ltmp6, $4  }
0xd8: {  	_ =	swait.ge [sflag:s23], $0x2000  }
0xd9: {  	[sflag:s23] =	ssyncset.done $0x0  }
0xda: {  	[sflag:s23] =	ssyncadd.s32 $0xFFFFE000  }
0xdb: {  	_ = 	snop  }
.LBB2_4:
0xdc: {  	s21 =	smul.u32 $0x28, s20;
	_ =	sdelay $0x1  }
0xdd: {  	s21 =	sadd.s32 s5, s21  }
0xde: {  	s21 =	sshll.u32 s21, $0x4  }
0xdf: {  	s24 =	sadd.s32 s6, s21  }
0xe0: {  	[tilespmem:s19], [sflag:$0x5] =	stream.linear.gather [hbm4b:s24+s19], $0x1400, $0x38;
	[tilespmem:$0x1E800] =	vst v63  }
0xe1: {  	_ =	swait.ge [sflag:s23], $0x1400  }
0xe2: {  	[sflag:s23] =	ssyncset.done $0x0  }
0xe3: {  	s21 =	sadd.s32 s21, s7;
	[sflag:s23] =	ssyncadd.s32 $0xFFFFEC00  }
0xe4: {  	[tilespmem:s26], [sflag:$0x5] =	stream.linear.gather [hbm4b:s21+s19], $0x1400, $0x38;
	[tilespmem:$0x1E800] =	vst v63  }
0xe5: {  	_ =	swait.ge [sflag:s23], $0x1400  }
0xe6: {  	[sflag:s23] =	ssyncset.done $0x0  }
0xe7: {  	[sflag:s23] =	ssyncadd.s32 $0xFFFFEC00  }
0xe8: {  	[tilespmem:s22], [sflag:$0x1] =	stream.indirect.gather [hbm4b:s1+s28], $0x80, s19, s28, $0xb8;
	[tilespmem:$0x1E800] =	vst v63  }
0xe9: {  	_ = 	snop  }
0xea: {  	[tilespmem:s30], [sflag:$0x2] =	stream.indirect.gather [hbm4b:s1+s28], $0x80, s29, s28, $0xb8;
	[tilespmem:$0x1E800] =	vst v63  }
0xeb: {  	_ = 	snop  }
0xec: {  	[tilespmem:s0], [sflag:$0x3] =	stream.indirect.gather [hbm4b:s1+s28], $0x80, s31, s28, $0xb8;
	[tilespmem:$0x1E800] =	vst v63  }
0xed: {  	_ = 	snop  }
0xee: {  	[tilespmem:s9], [sflag:$0x4] =	stream.indirect.gather [hbm4b:s1+s28], $0x80, s3, s28, $0xb8;
	[tilespmem:$0x1E800] =	vst v63  }
0xef: {  	_ =	swait.ge [sflag:s10], $0x2000  }
0xf0: {  	[sflag:s10] =	ssyncset.done $0x0  }
0xf1: {  	s25 =	simm.s32 $0x1400;
	[sflag:s10] =	ssyncadd.s32 $0xFFFFE000  }
0xf2: {  	[spmem:s2] =	stream.indirect.scatter.add.f32 [tilespmem:s22], [sflag:$0x5], $0x80, s25, s28, $0xb8;
	[tilespmem:$0x1E800] =	vst v63  }
0xf3: {  	_ =	swait.ge [sflag:s23], $0x2000  }
0xf4: {  	[sflag:s23] =	ssyncset.done $0x0  }
0xf5: {  	s24 =	simm.s32 $0x200;
	[sflag:s23] =	ssyncadd.s32 $0xFFFFE000  }
0xf6: {  	[tilespmem:s22], [sflag:$0x1] =	stream.indirect.gather [hbm4b:s1+s28], $0x80, s24, s28, $0xb8;
	[tilespmem:$0x1E800] =	vst v63  }
0xf7: {  	_ =	swait.ge [sflag:s11], $0x2000  }
0xf8: {  	[sflag:s11] =	ssyncset.done $0x0  }
0xf9: {  	s25 =	simm.s32 $0x1480;
	[sflag:s11] =	ssyncadd.s32 $0xFFFFE000  }
0xfa: {  	[spmem:s2] =	stream.indirect.scatter.add.f32 [tilespmem:s30], [sflag:$0x5], $0x80, s25, s28, $0xb8;
	[tilespmem:$0x1E800] =	vst v63  }
0xfb: {  	_ =	swait.ge [sflag:s23], $0x2000  }
0xfc: {  	[sflag:s23] =	ssyncset.done $0x0  }
0xfd: {  	s24 =	simm.s32 $0x280;
	[sflag:s23] =	ssyncadd.s32 $0xFFFFE000  }
0xfe: {  	[tilespmem:s30], [sflag:$0x2] =	stream.indirect.gather [hbm4b:s1+s28], $0x80, s24, s28, $0xb8;
	[tilespmem:$0x1E800] =	vst v63  }
0xff: {  	_ =	swait.ge [sflag:s13], $0x2000  }
0x100: {  	[sflag:s13] =	ssyncset.done $0x0  }
0x101: {  	s25 =	simm.s32 $0x1500;
	[sflag:s13] =	ssyncadd.s32 $0xFFFFE000  }
0x102: {  	[spmem:s2] =	stream.indirect.scatter.add.f32 [tilespmem:s0], [sflag:$0x5], $0x80, s25, s28, $0xb8;
	[tilespmem:$0x1E800] =	vst v63  }
0x103: {  	_ =	swait.ge [sflag:s23], $0x2000  }
0x104: {  	[sflag:s23] =	ssyncset.done $0x0  }
0x105: {  	s24 =	simm.s32 $0x300;
	[sflag:s23] =	ssyncadd.s32 $0xFFFFE000  }
0x106: {  	[tilespmem:s0], [sflag:$0x3] =	stream.indirect.gather [hbm4b:s1+s28], $0x80, s24, s28, $0xb8;
	[tilespmem:$0x1E800] =	vst v63  }
0x107: {  	_ =	swait.ge [sflag:s14], $0x2000  }
0x108: {  	[sflag:s14] =	ssyncset.done $0x0  }
0x109: {  	s25 =	simm.s32 $0x1580;
	[sflag:s14] =	ssyncadd.s32 $0xFFFFE000  }
0x10a: {  	[spmem:s2] =	stream.indirect.scatter.add.f32 [tilespmem:s9], [sflag:$0x5], $0x80, s25, s28, $0xb8;
	[tilespmem:$0x1E800] =	vst v63  }
0x10b: {  	_ =	swait.ge [sflag:s23], $0x2000  }
0x10c: {  	[sflag:s23] =	ssyncset.done $0x0  }
0x10d: {  	s21 =	simm.s32 $0x800;
	s24 =	simm.s32 $0x380;
	[sflag:s23] =	ssyncadd.s32 $0xFFFFE000  }
.LBB2_5:
0x10e: {  	[tilespmem:s9], [sflag:$0x4] =	stream.indirect.gather [hbm4b:s1+s28], $0x80, s24, s28, $0xb8;
	[tilespmem:$0x1E800] =	vst v63  }
0x10f: {  	s24 =	smov.u32 s21  }
0x110: {  	p2 =	sne.s32 s21, $0x4000;
	s21 =	sadd.s32 $0x800, s21;
	_ =	swait.ge [sflag:s10], $0x2000  }
0x111: {  	s24 =	sshra.s32 s24, $0x2;
	[sflag:s10] =	ssyncset.done $0x0  }
0x112: {  	s25 =	sadd.s32 $0x1400, s24;
	[sflag:s10] =	ssyncadd.s32 $0xFFFFE000  }
0x113: {  	[spmem:s2] =	stream.indirect.scatter.add.f32 [tilespmem:s22], [sflag:$0x5], $0x80, s25, s28, $0xb8;
	[tilespmem:$0x1E800] =	vst v63  }
0x114: {  	_ =	swait.ge [sflag:s23], $0x2000  }
0x115: {  	[sflag:s23] =	ssyncset.done $0x0  }
0x116: {  	s25 =	sadd.s32 $0x200, s24;
	[sflag:s23] =	ssyncadd.s32 $0xFFFFE000  }
0x117: {  	[tilespmem:s22], [sflag:$0x1] =	stream.indirect.gather [hbm4b:s1+s28], $0x80, s25, s28, $0xb8;
	[tilespmem:$0x1E800] =	vst v63  }
0x118: {  	_ =	swait.ge [sflag:s11], $0x2000  }
0x119: {  	[sflag:s11] =	ssyncset.done $0x0  }
0x11a: {  	s25 =	sadd.s32 $0x1480, s24;
	[sflag:s11] =	ssyncadd.s32 $0xFFFFE000  }
0x11b: {  	[spmem:s2] =	stream.indirect.scatter.add.f32 [tilespmem:s30], [sflag:$0x5], $0x80, s25, s28, $0xb8;
	[tilespmem:$0x1E800] =	vst v63  }
0x11c: {  	_ =	swait.ge [sflag:s23], $0x2000  }
0x11d: {  	[sflag:s23] =	ssyncset.done $0x0  }
0x11e: {  	s25 =	sadd.s32 $0x280, s24;
	[sflag:s23] =	ssyncadd.s32 $0xFFFFE000  }
0x11f: {  	[tilespmem:s30], [sflag:$0x2] =	stream.indirect.gather [hbm4b:s1+s28], $0x80, s25, s28, $0xb8;
	[tilespmem:$0x1E800] =	vst v63  }
0x120: {  	_ =	swait.ge [sflag:s13], $0x2000  }
0x121: {  	[sflag:s13] =	ssyncset.done $0x0  }
0x122: {  	s25 =	sadd.s32 $0x1500, s24;
	[sflag:s13] =	ssyncadd.s32 $0xFFFFE000  }
0x123: {  	[spmem:s2] =	stream.indirect.scatter.add.f32 [tilespmem:s0], [sflag:$0x5], $0x80, s25, s28, $0xb8;
	[tilespmem:$0x1E800] =	vst v63  }
0x124: {  	_ =	swait.ge [sflag:s23], $0x2000  }
0x125: {  	[sflag:s23] =	ssyncset.done $0x0  }
0x126: {  	s25 =	sadd.s32 $0x300, s24;
	[sflag:s23] =	ssyncadd.s32 $0xFFFFE000  }
0x127: {  	[tilespmem:s0], [sflag:$0x3] =	stream.indirect.gather [hbm4b:s1+s28], $0x80, s25, s28, $0xb8;
	[tilespmem:$0x1E800] =	vst v63  }
0x128: {  	_ =	swait.ge [sflag:s14], $0x2000  }
0x129: {  	[sflag:s14] =	ssyncset.done $0x0  }
.Ltmp7:
0x12a: {  	s25 =	sadd.s32 $0x1580, s24;
	[sflag:s14] =	ssyncadd.s32 $0xFFFFE000;
	(pc) =	sbr.rel @p2 .LBB2_5-.Ltmp7, $4  }
0x12b: {  	[spmem:s2] =	stream.indirect.scatter.add.f32 [tilespmem:s9], [sflag:$0x5], $0x80, s25, s28, $0xb8;
	[tilespmem:$0x1E800] =	vst v63  }
0x12c: {  	_ =	swait.ge [sflag:s23], $0x2000  }
0x12d: {  	[sflag:s23] =	ssyncset.done $0x0  }
0x12e: {  	s24 =	sadd.s32 $0x380, s24;
	[sflag:s23] =	ssyncadd.s32 $0xFFFFE000  }
0x12f: {  	[tilespmem:s9], [sflag:$0x4] =	stream.indirect.gather [hbm4b:s1+s28], $0x80, s24, s28, $0xb8;
	[tilespmem:$0x1E800] =	vst v63  }
0x130: {  	_ =	swait.ge [sflag:s10], $0x2000  }
0x131: {  	[sflag:s10] =	ssyncset.done $0x0  }
0x132: {  	[sflag:s10] =	ssyncadd.s32 $0xFFFFE000  }
0x133: {  	[spmem:s2] =	stream.indirect.scatter.add.f32 [tilespmem:s22], [sflag:$0x5], $0x80, s15, s28, $0xb8;
	[tilespmem:$0x1E800] =	vst v63  }
0x134: {  	_ =	swait.ge [sflag:s23], $0x2000  }
0x135: {  	[sflag:s23] =	ssyncset.done $0x0  }
0x136: {  	[sflag:s23] =	ssyncadd.s32 $0xFFFFE000  }
0x137: {  	_ =	swait.ge [sflag:s11], $0x2000  }
0x138: {  	[sflag:s11] =	ssyncset.done $0x0  }
0x139: {  	[sflag:s11] =	ssyncadd.s32 $0xFFFFE000  }
0x13a: {  	[spmem:s2] =	stream.indirect.scatter.add.f32 [tilespmem:s30], [sflag:$0x5], $0x80, s16, s28, $0xb8;
	[tilespmem:$0x1E800] =	vst v63  }
0x13b: {  	_ =	swait.ge [sflag:s23], $0x2000  }
0x13c: {  	[sflag:s23] =	ssyncset.done $0x0  }
0x13d: {  	[sflag:s23] =	ssyncadd.s32 $0xFFFFE000  }
0x13e: {  	_ =	swait.ge [sflag:s13], $0x2000  }
0x13f: {  	[sflag:s13] =	ssyncset.done $0x0  }
0x140: {  	[sflag:s13] =	ssyncadd.s32 $0xFFFFE000  }
0x141: {  	[spmem:s2] =	stream.indirect.scatter.add.f32 [tilespmem:s0], [sflag:$0x5], $0x80, s17, s28, $0xb8;
	[tilespmem:$0x1E800] =	vst v63  }
0x142: {  	_ =	swait.ge [sflag:s23], $0x2000  }
0x143: {  	[sflag:s23] =	ssyncset.done $0x0  }
0x144: {  	[sflag:s23] =	ssyncadd.s32 $0xFFFFE000  }
0x145: {  	_ =	swait.ge [sflag:s14], $0x2000  }
0x146: {  	s20 =	sadd.s32 $0x1, s20;
	[sflag:s14] =	ssyncset.done $0x0  }
0x147: {  	p2 =	seq.s32 s20, $0x4;
	[sflag:s14] =	ssyncadd.s32 $0xFFFFE000  }
0x148: {  	[spmem:s2] =	stream.indirect.scatter.add.f32 [tilespmem:s9], [sflag:$0x5], $0x80, s18, s28, $0xb8;
	[tilespmem:$0x1E800] =	vst v63  }
.Ltmp8:
0x149: {  	_ = 	snop;
	(pc) =	sbr.rel @!p2 .LBB2_4-.Ltmp8, $4  }
.Ltmp9:
0x14a: {  	_ = 	snop;
	(pc) =	sbr.rel @p2 .LBB2_10-.Ltmp9, $4  }
0x14b: {  	_ =	swait.ge [sflag:s23], $0x2000  }
0x14c: {  	[sflag:s23] =	ssyncset.done $0x0  }
0x14d: {  	[sflag:s23] =	ssyncadd.s32 $0xFFFFE000  }
0x14e: {  	_ = 	snop  }
.LBB2_11:
0x14f: {  	_ =	sfence.sel $0x180000  }
0x150: {  	[bflag:$0x0] =	sbarrier.arrive $0xFFFF  }
0x151: {  	_ =	strace $0x9000004A  }
0x152: {  	s0 =	stileid.u32;
	[bflag:$0x2] =	sbarrier.arrive $0xFFFF  }
0x153: {  	p0 =	sne.s32 s0, $0x0;
	s0 =	rddreg [dreg:$0x3]  }
0x154: {  	s0 =	sadd.s32 @!p0 $0x100000, s0  }
0x155: {  	[sflag:s0] =	ssyncadd.tile.s32 @!p0 $0x1;
	_ =	shalt  }
.Lfunc_end2:
_tile_overlayer_lowered:
.L_overlay_start_2:
0x156: {  	(tag) =	ssettag $0x2  }
0x157: {  	s0 =	rddreg [dreg:$0x0];
	s2 =	stileid.u32  }
0x158: {  	s1 =	rddreg [dreg:$0x1];
	p0 =	sne.s32 s2, $0x0  }
0x159: {  	s3 =	rddreg [dreg:$0x2];
	[bflag:$0x3] =	sbarrier.arrive $0xFFFF;
	s2 =	simm.s32 @!p0 $0x1C05  }
0x15a: {  	[timem:s3], [sflag:s2] =	dma.local @!p0 [hbm:s0], s1  }
0x15b: {  	s0 =	simm.s32 @!p0 $0x5  }
0x15c: {  	_ =	swait.ge @!p0 [sflag:s0], s1  }
0x15d: {  	s1 =	ssub.s32 @!p0 $0x0, s1;
	[sflag:s0] =	ssyncset.done @!p0 $0x0  }
0x15e: {  	[sflag:s0] =	ssyncadd.s32 @!p0 s1  }
0x15f: {  	[bflag:$0x3] =	sbarrier.arrive $0xFFFF  }
0x160: {  	_ =	shalt  }

// kernel: kernel.8.cloned.1.call-start
scs
__scs_entry_jumppad:
0x0: {  	(pc) =	sbr.rel $0x88, $3  }
0x1: {  	(tag) =	ssettag $0x0;
	lr =	simm.s32 $0x1  }
0x2: {  	[smem:$0x3F9D] =	sst lr;
	_ =	strace $0xD0000000  }
0x3: {  	_ = 	snop  }
0x4: {  	_ = 	snop  }
0x5: {  	_ = 	snop  }
0x6: {  	_ = 	snop  }
0x7: {  	_ = 	snop  }
__scs_overlays_trampoline_lowered:
0x8: {  	[smem:$0x3FAC] =	sst s0  }
0x9: {  	[smem:$0x3FAD] =	sst s1  }
0xa: {  	[smem:$0x3FAE] =	sst s2  }
0xb: {  	[smem:$0x3FAF] =	sst s3  }
0xc: {  	[smem:$0x3FB0] =	sst s4  }
0xd: {  	[smem:$0x3FB1] =	sst s5  }
0xe: {  	[smem:$0x3FB2] =	sst s6  }
0xf: {  	[smem:$0x3FB3] =	sst s7  }
0x10: {  	[smem:$0x3FB4] =	sst s8  }
0x11: {  	[smem:$0x3FB5] =	sst s9;
	s0 =	simm.s32 @!p0 $0x0  }
0x12: {  	s1 =	sld [smem:$0x3F9B];
	s0 =	simm.s32 @p0 $0x1  }
0x13: {  	[smem:$0x3FB6] =	sst s0;
	s0 =	simm.s32 @!p1 $0x0  }
0x14: {  	s2 =	sld [smem:$0x3F9A];
	s0 =	simm.s32 @p1 $0x1  }
0x15: {  	[smem:$0x3FB7] =	sst s0;
	s0 =	simm.s32 @!p2 $0x0  }
0x16: {  	s3 =	sld [smem:$0x3FDB];
	s0 =	simm.s32 @p2 $0x1  }
0x17: {  	s4 =	simm.s32 $0x1BF5;
	[smem:$0x3FB9] =	sst s0  }
0x18: {  	s0 =	sld [smem:$0x3F9C];
	_ =	swait.ge [sflag:s4], $0x0  }
0x19: {  	s7 =	sld [smem:$0x3F9D]  }
0x1a: {  	s8 =	sadd.s32 $0xFFFFE003, lr  }
0x1b: {  	s9 =	sadd.s32 $0xFFFFFEF7, lr;
	s5 =	simm.s32 $0xFFFFFFFF;
	p2 =	slt.u32 s8, $0xFFFFF086  }
0x1c: {  	p1 =	slt.u32 s9, $0xF7A;
	s5 =	simm.s32 @!p2 $0x0  }
0x1d: {  	s5 =	simm.s32 @p1 $0x1;
	p0 =	seq.s32 s7, s2  }
0x1e: {  	s7 =	smul.u32 @!p0 $0xF7A, s2;
	p2 =	seq.s32 @!p0 s5, $0x0  }
0x1f: {  	s9 =	smul.u32 $0xF7A, s1;
	s8 =	simm.s32 @!p0 $0x1BF5;
	p2 =	por !p2, p0  }
0x20: {  	[sflag:s8] =	ssyncset.s32 @!p0 $0xFFFFF086;
	s6 =	sadd.s32 @!p0 s3, s7;
	s7 =	simm.s32 @!p0 $0x108  }
0x21: {  	s3 =	sadd.s32 s3, s9;
	s6 =	sadd.s32 @!p0 $0x88, s6;
	s7 =	simm.s32 @p2 $0x1082  }
0x22: {  	[simem:s7], [sflag:s8] =	dma.local @!p0 [hbm:s6], $0xF7A  }
0x23: {  	s9 =	sor.u32 $0xD0000000, s2;
	s6 =	simm.s32 $0x108;
	_ =	swait.ge @!p0 [sflag:s8], $0x0  }
0x24: {  	s3 =	sadd.s32 $0x88, s3;
	s6 =	simm.s32 @!p1 $0x1082;
	[sflag:s4] =	ssyncset.s32 $0xFFFFF086  }
0x25: {  	[simem:s6], [sflag:s4] =	dma.local [hbm:s3], $0xF7A  }
0x26: {  	[smem:$0x3F9D] =	sst s1;
	(tag) =	ssettag s2;
	_ =	strace s9  }
0x27: {  	s1 =	sld [smem:$0x3FAD]  }
0x28: {  	s2 =	sld [smem:$0x3FAE]  }
0x29: {  	s4 =	sld [smem:$0x3FB0]  }
0x2a: {  	p0 =	seq.s32 s5, $0x0;
	s5 =	sld [smem:$0x3FB1]  }
0x2b: {  	s6 =	sld [smem:$0x3FB2]  }
0x2c: {  	s7 =	sld [smem:$0x3FB3]  }
0x2d: {  	s3 =	simm.s32 $0x108;
	s8 =	sld [smem:$0x3FB4]  }
0x2e: {  	s3 =	simm.s32 @!p0 $0x1082;
	s9 =	sld [smem:$0x3FB5]  }
0x2f: {  	lr =	sadd.s32 s0, s3;
	s0 =	sld [smem:$0x3FAC]  }
0x30: {  	s3 =	sld [smem:$0x3FAF]  }
0x31: {  	[smem:$0x3FB8] =	sst s10  }
0x32: {  	s10 =	sld [smem:$0x3FB6];
	_ =	sdelay $0x3  }
0x33: {  	p0 =	seq.s32 s10, $0x1;
	s10 =	sld [smem:$0x3FB8];
	_ =	sdelay $0x3  }
0x34: {  	[smem:$0x3FB8] =	sst s10  }
0x35: {  	s10 =	sld [smem:$0x3FB7];
	_ =	sdelay $0x3  }
0x36: {  	p1 =	seq.s32 s10, $0x1;
	s10 =	sld [smem:$0x3FB8];
	_ =	sdelay $0x3  }
0x37: {  	[smem:$0x3FB8] =	sst s10  }
0x38: {  	s10 =	sld [smem:$0x3FB9]  }
0x39: {  	_ = 	snop;
	(pc) =	sbr.ind lr, $3  }
0x3a: {  	_ = 	snop  }
0x3b: {  	_ = 	snop  }
0x3c: {  	p2 =	seq.s32 s10, $0x1;
	s10 =	sld [smem:$0x3FB8]  }
0x3d: {  	_ =	shalt  }
0x3e: {  	_ =	shalt  }
0x3f: {  	_ =	shalt  }
0x40: {  	_ =	shalt  }
0x41: {  	_ =	shalt  }
0x42: {  	_ =	shalt  }
0x43: {  	_ =	shalt  }
0x44: {  	_ =	shalt  }
0x45: {  	_ =	shalt  }
0x46: {  	_ =	shalt  }
0x47: {  	_ =	shalt  }
0x48: {  	_ =	shalt  }
0x49: {  	_ =	shalt  }
0x4a: {  	_ =	shalt  }
0x4b: {  	_ =	shalt  }
0x4c: {  	_ =	shalt  }
0x4d: {  	_ =	shalt  }
0x4e: {  	_ =	shalt  }
0x4f: {  	_ =	shalt  }
0x50: {  	_ =	shalt  }
0x51: {  	_ =	shalt  }
0x52: {  	_ =	shalt  }
0x53: {  	_ =	shalt  }
0x54: {  	_ =	shalt  }
0x55: {  	_ =	shalt  }
0x56: {  	_ =	shalt  }
0x57: {  	_ =	shalt  }
0x58: {  	_ =	shalt  }
0x59: {  	_ =	shalt  }
0x5a: {  	_ =	shalt  }
0x5b: {  	_ =	shalt  }
0x5c: {  	_ =	shalt  }
0x5d: {  	_ =	shalt  }
0x5e: {  	_ =	shalt  }
0x5f: {  	_ =	shalt  }
0x60: {  	_ =	shalt  }
0x61: {  	_ =	shalt  }
0x62: {  	_ =	shalt  }
0x63: {  	_ =	shalt  }
0x64: {  	_ =	shalt  }
0x65: {  	_ =	shalt  }
0x66: {  	_ =	shalt  }
0x67: {  	_ =	shalt  }
0x68: {  	_ =	shalt  }
0x69: {  	_ =	shalt  }
0x6a: {  	_ =	shalt  }
0x6b: {  	_ =	shalt  }
0x6c: {  	_ =	shalt  }
0x6d: {  	_ =	shalt  }
0x6e: {  	_ =	shalt  }
0x6f: {  	_ =	shalt  }
0x70: {  	_ =	shalt  }
0x71: {  	_ =	shalt  }
0x72: {  	_ =	shalt  }
0x73: {  	_ =	shalt  }
0x74: {  	_ =	shalt  }
0x75: {  	_ =	shalt  }
0x76: {  	_ =	shalt  }
0x77: {  	_ =	shalt  }
0x78: {  	_ =	shalt  }
0x79: {  	_ =	shalt  }
0x7a: {  	_ =	shalt  }
0x7b: {  	_ =	shalt  }
0x7c: {  	_ =	shalt  }
0x7d: {  	_ =	shalt  }
0x7e: {  	_ =	shalt  }
0x7f: {  	_ =	shalt  }
0x80: {  	_ =	shalt  }
0x81: {  	_ =	shalt  }
0x82: {  	_ =	shalt  }
0x83: {  	_ =	shalt  }
0x84: {  	_ =	shalt  }
0x85: {  	_ =	shalt  }
0x86: {  	_ =	shalt  }
0x87: {  	_ =	shalt  }
.Lfunc_end0:
.L_simem_size_0:
called_computation_lowered:
.L_overlay_start_0:
0x88: {  	s2 =	sld [smem:$0x3FD9]  }
0x89: {  	s3 =	sld [smem:$0x3FFE];
	_ =	sdelay $0x1  }
0x8a: {  	s1 =	srdreg.scid  }
0x8b: {  	s0 =	sand.u32 $0x1, s1  }
0x8c: {  	s17 =	sshll.u32 s0, $0xA;
	s2 =	sadd.s32 s3, s2  }
0x8d: {  	s2 =	sadd.s32 s2, s17  }
0x8e: {  	[smem:$0x3FC4] =	sst s2  }
0x8f: {  	_ = 	snop  }
0x90: {  	s2 =	sld [smem:$0x3FD0];
	(tm) =	ssettm $0x1  }
0x91: {  	s18 =	sld [smem:$0x3FFB];
	_ =	sdelay $0x3  }
0x92: {  	_ =	strace s18  }
0x93: {  	s3 =	sld [smem:$0x3FFC];
	_ =	sdelay $0x3  }
0x94: {  	_ =	strace s3  }
0x95: {  	s3 =	sld [smem:$0x3FFD];
	_ =	sdelay $0x3  }
0x96: {  	_ =	strace s3  }
0x97: {  	_ =	strace $0x8FFFFFFF  }
0x98: {  	s19 =	sld [smem:$0x3FDB];
	_ =	sdelay $0x1  }
0x99: {  	s4 =	simm.s32 $_scs_section_size  }
0x9a: {  	s5 =	simm.s32 $_size__tile_overlayer_lowered;
	s6 =	simm.s32 $_tile_overlayer_lowered  }
0x9b: {  	s22 =	simm.s32 $0x1BFF;
	s21 =	sshll.u32 s6, $0x1;
	s3 =	sadd.s32 s4, s19  }
0x9c: {  	s7 =	simm.s32 $0x0;
	s20 =	sshll.u32 s5, $0x1;
	s5 =	sadd.s32 s21, s3  }
0x9d: {  	[timem:s7], [sflag:s22] =	dma.local [hbm:s5], s20  }
0x9e: {  	_ =	swait.ge [sflag:s22], s20  }
0x9f: {  	s4 =	ssub.s32 $0x0, s20;
	[sflag:s22] =	ssyncset.done $0x0  }
0xa0: {  	[sflag:s22] =	ssyncadd.s32 s4;
	_ =	sdelay $0x1  }
0xa1: {  	s23 =	simm.s32 $0x1B8B  }
0xa2: {  	_ =	swait.ge [sflag:s23], $0x1  }
0xa3: {  	[sflag:s23] =	ssyncset.done $0x0  }
0xa4: {  	s25 =	simm.s32 $0x1B8E;
	s24 =	sld [smem:$0x3FFE];
	[sflag:s23] =	ssyncadd.s32 $0xFFFFFFFF  }
0xa5: {  	s26 =	simm.s32 $execute0_lowered;
	[smem:$0x3FD2] =	sst s25  }
0xa6: {  	s5 =	sshll.u32 s26, $0x1;
	_ =	strace $0x80000046;
	[dreg:$0x1] =	wrdreg $0xFFFFFFFF  }
0xa7: {  	s28 =	simm.s32 $_size_execute0_lowered;
	s3 =	sadd.s32 s3, s5;
	[dreg:$0x0] =	wrdreg $0x0  }
0xa8: {  	s5 =	sshll.u32 s28, $0x1;
	[dreg:$0x2] =	wrdreg s3  }
0xa9: {  	[dreg:$0x3] =	wrdreg s5  }
0xaa: {  	[dreg:$0x4] =	wrdreg $0xC0  }
0xab: {  	_ =	task [dreg:s7], $0x5FFFF  }
0xac: {  	[dreg:$0x1] =	wrdreg $0xFFFFFFFF  }
0xad: {  	[dreg:$0x0] =	wrdreg $0x60  }
0xae: {  	[dreg:$0x2] =	wrdreg s24  }
0xaf: {  	[dreg:$0x3] =	wrdreg s2  }
0xb0: {  	[dreg:$0x4] =	wrdreg $0x9  }
0xb1: {  	_ =	task.clear_ibuf [dreg:s7], $0x5FFFF;
	_ =	strace $0x90000046  }
0xb2: {  	s29 =	simm.s32 $0x9;
	_ =	strace $0x80000048  }
0xb3: {  	_ =	swait.ge [sflag:s29], $0x1  }
0xb4: {  	[sflag:s29] =	ssyncadd.s32 $0xFFFFFFFF  }
0xb5: {  	_ =	strace $0x90000048  }
0xb6: {  	_ =	sfence  }
0xb7: {  	s30 =	sld [smem:$0x0];
	_ =	sdelay $0x2  }
0xb8: {  	s31 =	sshll.u32 s1, $0xD;
	s1 =	sshrl.u32 s1, $0x2  }
0xb9: {  	s3 =	sand.u32 $0x4000, s31;
	s1 =	sadd.s32 s1, s30  }
0xba: {  	s0 =	sor.u32 s3, s0;
	s1 =	sshll.u32 s1, $0x11  }
0xbb: {  	s0 =	sor.u32 s1, s0  }
0xbc: {  	s0 =	sadd.s32 $0x8F2B, s0  }
0xbd: {  	[sflag:s0] =	ssyncadd.remote.s32 $0x1  }
0xbe: {  	_ =	sfence.sel $0xFFFF  }
0xbf: {  	[dreg:$0x0] =	wrdreg $0xFFFFFFFF;
	(pc) =	sbr.abs _section_cstart, $3  }
0xc0: {  	[dreg:$0x1] =	wrdreg $0xFFFFFFFF  }
0xc1: {  	_ =	task.clear_ibuf [dreg:s7], $0x2FFFF;
	_ =	strace $0x9FFFFFFF  }
0xc2: {  	(tm) =	ssettm $0x7FFFFFFF  }
0xc3: {  	_ =	shalt  }
tec
execute0_lowered:
.L_overlay_start_1:
0x0: {  	(tag) =	ssettag $0x1  }
0x1: {  	s3 =	rddreg [dreg:$0x0]  }
0x2: {  	s5 =	rddreg [dreg:$0x1];
	s2 =	srdreg.scid  }
0x3: {  	s0 =	rddreg [dreg:$0x2];
	s1 =	stileid.u32;
	s4 =	sand.u32 $0x1, s2  }
0x4: {  	s10 =	simm.s32 $0x400;
	s2 =	simm.s32 $0x0;
	s7 =	sshll.u32 s4, $0x4  }
0x5: {  	s6 =	smul.u32 $0x5000, s1;
	s9 =	sshll.u32 s1, $0x7;
	s7 =	sor.u32 s1, s7  }
0x6: {  	[smem:$0x7FF] =	sst s2;
	s8 =	ssub.s32 $0x2, s4;
	s7 =	sshrl.u32 s7, $0x3  }
0x7: {  	s9 =	sand.u32 $0x380, s9;
	p0 =	seq.s32 s4, $0x1;
	s7 =	smul.u32 $0x14000, s7  }
.Ltmp0:
0x8: {  	s6 =	sshrl.u32 s6, $0x3;
	s30 =	sshrl.u32 s8, $0x1;
	(pc) =	sbr.rel .LBB2_1-.Ltmp0, $4  }
0x9: {  	_ =	strace $0x80000047;
	s6 =	sadd.s32 s6, s3;
	s8 =	ssub.s32 s8, s30  }
0xa: {  	s3 =	sadd.s32 $0x15E00, s6;
	s4 =	sadd.s32 $0x1FE00, s6;
	s7 =	sor.u32 s9, s7  }
0xb: {  	s6 =	smax.u32 s8, $0x1;
	s8 =	simm.s32 $0x5000;
	s31 =	sshrl.u32 s7, $0x3  }
0xc: {  	v0 =	vimm.f32 $0.0e+00;
	v1 =	vimm.f32 $1.000000000e+00;
	s9 =	simm.s32 $0x80;
	s7 =	simm.s32 $0x1;
	s5 =	sadd.s32 s5, s31  }
.LBB2_8:
0xd: {  	s2 =	sadd.s32 $0x1, s2  }
0xe: {  	p1 =	sne.s32 s2, s6  }
.Ltmp1:
0xf: {  	_ = 	snop;
	(pc) =	sbr.rel @!p1 .LBB2_9-.Ltmp1, $4  }
0x10: {  	[hbm4b:s5+s9] =	stream.strided.scatter [tilespmem:s8], [sflag:$0x1], $0x2800, s10, s9, $0x38;
	[tilespmem:$0x7800] =	vst v63  }
0x11: {  	_ =	swait.ge [sflag:s7], $0x2800  }
0x12: {  	[sflag:s7] =	ssyncset.done $0x0  }
0x13: {  	[sflag:s7] =	ssyncadd.s32 $0xFFFFD800  }
.LBB2_1:
0x14: {  	s11 =	simm.s32 $0x40;
	s12 =	simm.s32 $0x0  }
.LBB2_2:
0x15: {  	p1 =	sne.s32 s11, $0x9FC0;
	[tilespmem:s12+$0x5000] =	vst v0;
	s12 =	smov.u32 s11;
	s11 =	sadd.s32 $0x40, s11  }
.Ltmp2:
0x16: {  	(pc) =	sbr.rel @p1 .LBB2_2-.Ltmp2, $2  }
0x17: {  	_ =	sdelay $0x2  }
0x18: {  	s12 =	sshra.s32 s12, $0x2  }
.Ltmp3:
0x19: {  	(pc) =	sbr.rel @!p0 .LBB2_4-.Ltmp3, $2  }
0x1a: {  	_ =	sdelay $0x2  }
0x1b: {  	[tilespmem:s12+$0x5000] =	vst v0;
	s11 =	simm.s32 $0x0  }
0x1c: {  	[tilespmem:s11], [sflag:$0x1] =	stream.linear.gather [hbm4b:s4+s11], $0x5000, $0x38;
	[tilespmem:$0x7800] =	vst v63  }
0x1d: {  	_ =	swait.ge [sflag:s7], $0x5000  }
0x1e: {  	[sflag:s7] =	ssyncset.done $0x0  }
0x1f: {  	[sflag:s7] =	ssyncadd.s32 $0xFFFFB000  }
.LBB2_7:
0x20: {  	s12 =	sshra.s32 s11, $0x2  }
0x21: {  	v2 =	vld [tilespmem:s12+$0x0];
	_ =	sdelay $0x7  }
0x22: {  	[tilespmem:v2+s8+$0x0] =	vst.idx.add.f32.msk $0xffff, v1  }
0x23: {  	v2 =	vld [tilespmem:s12+$0x10];
	_ =	sdelay $0x7  }
0x24: {  	[tilespmem:v2+s8+$0x0] =	vst.idx.add.f32.msk $0xffff, v1  }
0x25: {  	v2 =	vld [tilespmem:s12+$0x20];
	_ =	sdelay $0x7  }
0x26: {  	[tilespmem:v2+s8+$0x0] =	vst.idx.add.f32.msk $0xffff, v1  }
0x27: {  	v2 =	vld [tilespmem:s12+$0x30];
	_ =	sdelay $0x2  }
0x28: {  	p1 =	sne.s32 s11, $0x13E00  }
.Ltmp4:
0x29: {  	_ = 	snop;
	(pc) =	sbr.rel @p1 .LBB2_7-.Ltmp4, $2  }
0x2a: {  	_ =	sdelay $0x2  }
0x2b: {  	s11 =	sadd.s32 $0x200, s11;
	[tilespmem:v2+s8+$0x0] =	vst.idx.add.f32.msk $0xffff, v1  }
.Ltmp5:
0x2c: {  	_ = 	snop;
	(pc) =	sbr.rel .LBB2_8-.Ltmp5, $1  }
0x2d: {  	_ =	sdelay $0x3  }
.LBB2_4:
0x2e: {  	[tilespmem:s11], [sflag:$0x1] =	stream.linear.gather [hbm4b:s3+s11], $0x5000, $0x38;
	[tilespmem:$0x7800] =	vst v63  }
0x2f: {  	_ =	swait.ge [sflag:s7], $0x5000  }
0x30: {  	[sflag:s7] =	ssyncset.done $0x0  }
0x31: {  	[sflag:s7] =	ssyncadd.s32 $0xFFFFB000  }
.LBB2_5:
0x32: {  	s12 =	sshra.s32 s11, $0x2  }
0x33: {  	v2 =	vld [tilespmem:s12+$0x0];
	_ =	sdelay $0x7  }
0x34: {  	[tilespmem:v2+s8+$0x0] =	vst.idx.add.f32.msk $0xffff, v1  }
0x35: {  	v2 =	vld [tilespmem:s12+$0x10];
	_ =	sdelay $0x7  }
0x36: {  	[tilespmem:v2+s8+$0x0] =	vst.idx.add.f32.msk $0xffff, v1  }
0x37: {  	v2 =	vld [tilespmem:s12+$0x20];
	_ =	sdelay $0x7  }
0x38: {  	[tilespmem:v2+s8+$0x0] =	vst.idx.add.f32.msk $0xffff, v1  }
0x39: {  	v2 =	vld [tilespmem:s12+$0x30];
	_ =	sdelay $0x2  }
0x3a: {  	p1 =	seq.s32 s11, $0x13E00  }
.Ltmp6:
0x3b: {  	_ = 	snop;
	(pc) =	sbr.rel @!p1 .LBB2_5-.Ltmp6, $2  }
0x3c: {  	_ =	sdelay $0x2  }
0x3d: {  	s11 =	sadd.s32 $0x200, s11;
	[tilespmem:v2+s8+$0x0] =	vst.idx.add.f32.msk $0xffff, v1  }
.Ltmp7:
0x3e: {  	_ = 	snop;
	(pc) =	sbr.rel .LBB2_8-.Ltmp7, $1  }
0x3f: {  	_ =	sdelay $0x3  }
.LBB2_9:
0x40: {  	_ =	sfence.sel $0x180000  }
0x41: {  	[bflag:$0x0] =	sbarrier.arrive $0xFFFF  }
0x42: {  	p0 =	sne.s32 s1, $0x0;
	_ =	strace $0x90000047  }
0x43: {  	s0 =	sadd.s32 @!p0 $0x100000, s0;
	[bflag:$0x2] =	sbarrier.arrive $0xFFFF  }
0x44: {  	[sflag:s0] =	ssyncadd.tile.s32 @!p0 $0x1;
	_ =	shalt  }
.Lfunc_end2:
_tile_overlayer_lowered:
.L_overlay_start_2:
0x45: {  	(tag) =	ssettag $0x2  }
0x46: {  	s0 =	rddreg [dreg:$0x0];
	s2 =	stileid.u32  }
0x47: {  	s1 =	rddreg [dreg:$0x1];
	p0 =	sne.s32 s2, $0x0  }
0x48: {  	s3 =	rddreg [dreg:$0x2];
	[bflag:$0x3] =	sbarrier.arrive $0xFFFF;
	s2 =	simm.s32 @!p0 $0x1C01  }
0x49: {  	[timem:s3], [sflag:s2] =	dma.local @!p0 [hbm:s0], s1  }
0x4a: {  	s0 =	simm.s32 @!p0 $0x1  }
0x4b: {  	_ =	swait.ge @!p0 [sflag:s0], s1  }
0x4c: {  	s1 =	ssub.s32 @!p0 $0x0, s1;
	[sflag:s0] =	ssyncset.done @!p0 $0x0  }
0x4d: {  	[sflag:s0] =	ssyncadd.s32 @!p0 s1  }
0x4e: {  	[bflag:$0x3] =	sbarrier.arrive $0xFFFF  }
0x4f: {  	_ =	shalt  }

</sc_bundles>
